<compile_context>
chip_gen: v7x
topology: tpu7x:2x2x1
jax: 0.10.2.dev20260603
libtpu: 0.0.44.dev20260713+nightly
codegen_flags: <defaults>
</compile_context>

<pallas_src>
import functools

import jax
import jax.numpy as jnp
from jax import lax
from jax.experimental import pallas as pl
from jax.experimental.pallas import tpu as pltpu
from jax.experimental.pallas import tpu_sc as plsc

_CHUNK = 16
_NBUF = 4
_AHEAD = 2


def _make_gather(n_rows, d_model, n_workers, num_cores, chunk):
    n_per_w = n_rows // n_workers
    n_chunks = n_per_w // chunk
    assert n_per_w % chunk == 0 and n_chunks % _NBUF == 0
    n_groups = n_chunks // _NBUF
    mesh = plsc.VectorSubcoreMesh(core_axis_name="c", subcore_axis_name="s")

    @functools.partial(
        pl.kernel,
        mesh=mesh,
        out_type=jax.ShapeDtypeStruct((n_rows, d_model), jnp.float32),
        scratch_types=[
            pltpu.VMEM((n_chunks, chunk), jnp.int32),
            pltpu.VMEM((_NBUF, chunk, d_model), jnp.float32),
        ]
        + [pltpu.SemaphoreType.DMA] * (2 * _NBUF),
    )
    def gather_kernel(table_hbm, idx_hbm, out_hbm, idx_v, rows_v, *sems):
        gsem = sems[:_NBUF]
        ssem = sems[_NBUF:]
        wid = lax.axis_index("s") * num_cores + lax.axis_index("c")

        pltpu.sync_copy(idx_hbm.at[:, wid], idx_v)

        def start_gather(b, g):
            pltpu.async_copy(table_hbm.at[idx_v.at[g]], rows_v.at[b], gsem[b])

        def wait_gather(b, g):
            pltpu.make_async_copy(
                table_hbm.at[idx_v.at[g]], rows_v.at[b], gsem[b]
            ).wait()

        def start_scatter(b, g):
            off = (g * n_workers + wid) * chunk
            pltpu.async_copy(
                rows_v.at[b], out_hbm.at[pl.ds(off, chunk)], ssem[b]
            )

        def wait_scatter(b):
            pltpu.make_async_copy(
                rows_v.at[b], out_hbm.at[pl.ds(wid * chunk, chunk)], ssem[b]
            ).wait()

        for b in range(_AHEAD):
            start_gather(b, b)

        def group(o, carry):
            for j in range(_NBUF):
                g = o * _NBUF + j
                bn = (j + _AHEAD) % _NBUF

                @pl.when(g + _AHEAD < n_chunks)
                def _():
                    @pl.when(g >= _NBUF - _AHEAD)
                    def _():
                        wait_scatter(bn)

                    start_gather(bn, g + _AHEAD)

                wait_gather(j, g)
                start_scatter(j, g)

            return carry

        lax.fori_loop(0, n_groups, group, 0)

        for j in range(_NBUF):
            wait_scatter(j)

    return gather_kernel


def _shard_gather(pe, token_positions):
    batch, seq_len = token_positions.shape
    d_model = pe.shape[1]
    n_rows = batch * seq_len

    info = plsc.get_sparse_core_info()
    n_workers = info.num_cores * info.num_subcores
    n_per_w = n_rows // n_workers
    idx = token_positions.reshape(n_per_w // _CHUNK, n_workers, _CHUNK)

    gather = _make_gather(n_rows, d_model, n_workers, info.num_cores, _CHUNK)
    out = gather(pe, idx)
    return out.reshape(batch, seq_len, d_model)


def kernel(pe, token_positions):
    return _shard_gather(pe, token_positions)

# --- scband reference (transcript-rebuilt; emitter-appended) ---
"""Pipeline reference for scband-sinusoidal-positional-encoding-59115929862309 (READ-ONLY COPY).

The authoritative reference and input builder live on the scoring server;
editing this copy changes nothing except your own understanding.
"""

import jax, jax.numpy as jnp
import numpy as np

D_MODEL = 1024
MAX_SEQ_LEN = 8192
BATCH = 4
SEQ_LEN = 8192


def _build_pe(max_seq_len, d_model):
    positions = jnp.arange(max_seq_len, dtype=jnp.float32)[:, None]
    denom = jnp.power(10000.0, jnp.arange(0, d_model, 2, dtype=jnp.float32) / d_model)[None, :]
    pe = jnp.zeros((max_seq_len, d_model), dtype=jnp.float32)
    pe = pe.at[:, 0::2].set(jnp.sin(positions / denom))
    pe = pe.at[:, 1::2].set(jnp.cos(positions / denom))
    return pe


def setup_inputs(seed: int = 0) -> dict:
    key = jax.random.key(seed)
    token_positions = jax.random.randint(key, (BATCH, SEQ_LEN), 0, MAX_SEQ_LEN, dtype=jnp.int32)
    pe = _build_pe(MAX_SEQ_LEN, D_MODEL)
    return {"pe": pe, "token_positions": token_positions}


def reference(pe, token_positions):
    # Faithful translation: gather rows of the positional-encoding buffer
    return jnp.take(pe, token_positions, axis=0)

if __name__ == "__main__":
    import jax
    _d = setup_inputs()
    print(jax.jit(kernel)(*tuple(_d.values())))

</pallas_src>

<mosaic_0001>
#map = affine_map<(d0, d1) -> (0, 0)>
#map1 = affine_map<(d0, d1) -> (0, 0, 0)>
module attributes {stable_mosaic.version = 14 : i64} {
  func.func @gather_kernel(%arg0: i32, %arg1: i32, %arg2: memref<8192x1024xf32, #tpu.memory_space<hbm>>, %arg3: memref<64x32x16xi32, #tpu.memory_space<hbm>>, %arg4: memref<32768x1024xf32, #tpu.memory_space<hbm>>, %arg5: memref<64x16xi32, #tpu.memory_space<vmem>>, %arg6: memref<4x16x1024xf32, #tpu.memory_space<vmem>>, %arg7: memref<!tpu.dma_semaphore, #tpu.memory_space<semaphore_mem>>, %arg8: memref<!tpu.dma_semaphore, #tpu.memory_space<semaphore_mem>>, %arg9: memref<!tpu.dma_semaphore, #tpu.memory_space<semaphore_mem>>, %arg10: memref<!tpu.dma_semaphore, #tpu.memory_space<semaphore_mem>>, %arg11: memref<!tpu.dma_semaphore, #tpu.memory_space<semaphore_mem>>, %arg12: memref<!tpu.dma_semaphore, #tpu.memory_space<semaphore_mem>>, %arg13: memref<!tpu.dma_semaphore, #tpu.memory_space<semaphore_mem>>, %arg14: memref<!tpu.dma_semaphore, #tpu.memory_space<semaphore_mem>>) attributes {dimension_semantics = [#tpu.dimension_semantics<core_parallel>, #tpu.dimension_semantics<subcore_parallel>], iteration_bounds = array<i64: 2, 16>, scalar_prefetch = 0 : i64, scratch_operands = 10 : i64, tpu.core_type = #tpu.core_type<sc_vector_subcore>, window_params = [{transform_indices = #map}, {transform_indices = #map1}, {transform_indices = #map}]} {
    %mul3A = arith.constant 2 : i32
    %mul3A_0 = arith.muli %arg1, %mul3A : i32
    %add3A = arith.addi %mul3A_0, %arg0 : i32
    "tpu.region"() ({
      %run_scoped3A = tpu.sem_alloc : memref<!tpu.dma_semaphore, #tpu.memory_space<semaphore_mem>>
      %dma_start3A_88 = arith.constant 0 : i32
      %dma_start3A_89 = arith.constant 0 : i32
      %dma_start3A_90 = tpu.memref_slice %arg3[%dma_start3A_88, %add3A, %dma_start3A_89] : memref<64x32x16xi32, #tpu.memory_space<hbm>> -> memref<64x1x16xi32, #tpu.memory_space<hbm>>
      %dma_start3A_91 = tpu.memref_squeeze %dma_start3A_90 : memref<64x1x16xi32, #tpu.memory_space<hbm>> -> memref<64x16xi32, #tpu.memory_space<hbm>>
      %dma_start3A_92 = arith.constant 0 : i32
      %dma_start3A_93 = arith.constant 0 : i32
      %dma_start3A_94 = tpu.memref_slice %arg3[%dma_start3A_92, %add3A, %dma_start3A_93] : memref<64x32x16xi32, #tpu.memory_space<hbm>> -> memref<64x1x16xi32, #tpu.memory_space<hbm>>
      %dma_start3A_95 = tpu.memref_squeeze %dma_start3A_94 : memref<64x1x16xi32, #tpu.memory_space<hbm>> -> memref<64x16xi32, #tpu.memory_space<hbm>>
      tpu.enqueue_dma source(%dma_start3A_95 : memref<64x16xi32, #tpu.memory_space<hbm>>) target(%arg5 : memref<64x16xi32, #tpu.memory_space<vmem>>) target_semaphore(%run_scoped3A : memref<!tpu.dma_semaphore, #tpu.memory_space<semaphore_mem>>)
      %dma_wait3A_96 = arith.constant 0 : i32
      %dma_wait3A_97 = arith.constant 0 : i32
      %dma_wait3A_98 = tpu.memref_slice %arg3[%dma_wait3A_96, %add3A, %dma_wait3A_97] : memref<64x32x16xi32, #tpu.memory_space<hbm>> -> memref<64x1x16xi32, #tpu.memory_space<hbm>>
      %dma_wait3A_99 = tpu.memref_squeeze %dma_wait3A_98 : memref<64x1x16xi32, #tpu.memory_space<hbm>> -> memref<64x16xi32, #tpu.memory_space<hbm>>
      %dma_wait3A_100 = arith.constant 0 : i32
      %dma_wait3A_101 = arith.constant 0 : i32
      %dma_wait3A_102 = tpu.memref_slice %arg3[%dma_wait3A_100, %add3A, %dma_wait3A_101] : memref<64x32x16xi32, #tpu.memory_space<hbm>> -> memref<64x1x16xi32, #tpu.memory_space<hbm>>
      %dma_wait3A_103 = tpu.memref_squeeze %dma_wait3A_102 : memref<64x1x16xi32, #tpu.memory_space<hbm>> -> memref<64x16xi32, #tpu.memory_space<hbm>>
      tpu.wait_dma2 semaphore(%run_scoped3A : memref<!tpu.dma_semaphore, #tpu.memory_space<semaphore_mem>>) src(%dma_wait3A_103 : memref<64x16xi32, #tpu.memory_space<hbm>>) dst(%arg5 : memref<64x16xi32, #tpu.memory_space<vmem>>)
      tpu.yield
    }) : () -> ()
    %dma_start3A = arith.constant 0 : i32
    %dma_start3A_1 = arith.constant 0 : i32
    %dma_start3A_2 = arith.constant 0 : i32
    %dma_start3A_3 = arith.constant 0 : i32
    %dma_start3A_4 = tpu.memref_slice %arg6[%dma_start3A_1, %dma_start3A_2, %dma_start3A_3] : memref<4x16x1024xf32, #tpu.memory_space<vmem>> -> memref<1x16x1024xf32, #tpu.memory_space<vmem>>
    %dma_start3A_5 = tpu.memref_squeeze %dma_start3A_4 : memref<1x16x1024xf32, #tpu.memory_space<vmem>> -> memref<16x1024xf32, #tpu.memory_space<vmem>>
    %dma_start3A_6 = arith.constant 0 : i32
    %dma_start3A_7 = tpu.memref_slice %arg5[%dma_start3A, %dma_start3A_6] : memref<64x16xi32, #tpu.memory_space<vmem>> -> memref<1x16xi32, #tpu.memory_space<vmem>>
    %dma_start3A_8 = tpu.memref_squeeze %dma_start3A_7 : memref<1x16xi32, #tpu.memory_space<vmem>> -> memref<16xi32, #tpu.memory_space<vmem>>
    %dma_start3A_9 = arith.constant 0 : i32
    %dma_start3A_10 = arith.constant 0 : i32
    %dma_start3A_11 = tpu.memref_slice %arg2[%dma_start3A_9, %dma_start3A_10] : memref<8192x1024xf32, #tpu.memory_space<hbm>> -> memref<8192x1024xf32, #tpu.memory_space<hbm>>
    tpu.enqueue_indirect_dma source(%dma_start3A_11 : memref<8192x1024xf32, #tpu.memory_space<hbm>>) target(%dma_start3A_5 : memref<16x1024xf32, #tpu.memory_space<vmem>>) offsets(%dma_start3A_8 : memref<16xi32, #tpu.memory_space<vmem>>) semaphore(%arg7 : memref<!tpu.dma_semaphore, #tpu.memory_space<semaphore_mem>>)
    %dma_start3A_12 = arith.constant 1 : i32
    %dma_start3A_13 = arith.constant 1 : i32
    %dma_start3A_14 = arith.constant 0 : i32
    %dma_start3A_15 = arith.constant 0 : i32
    %dma_start3A_16 = tpu.memref_slice %arg6[%dma_start3A_13, %dma_start3A_14, %dma_start3A_15] : memref<4x16x1024xf32, #tpu.memory_space<vmem>> -> memref<1x16x1024xf32, #tpu.memory_space<vmem>>
    %dma_start3A_17 = tpu.memref_squeeze %dma_start3A_16 : memref<1x16x1024xf32, #tpu.memory_space<vmem>> -> memref<16x1024xf32, #tpu.memory_space<vmem>>
    %dma_start3A_18 = arith.constant 0 : i32
    %dma_start3A_19 = tpu.memref_slice %arg5[%dma_start3A_12, %dma_start3A_18] : memref<64x16xi32, #tpu.memory_space<vmem>> -> memref<1x16xi32, #tpu.memory_space<vmem>>
    %dma_start3A_20 = tpu.memref_squeeze %dma_start3A_19 : memref<1x16xi32, #tpu.memory_space<vmem>> -> memref<16xi32, #tpu.memory_space<vmem>>
    %dma_start3A_21 = arith.constant 0 : i32
    %dma_start3A_22 = arith.constant 0 : i32
    %dma_start3A_23 = tpu.memref_slice %arg2[%dma_start3A_21, %dma_start3A_22] : memref<8192x1024xf32, #tpu.memory_space<hbm>> -> memref<8192x1024xf32, #tpu.memory_space<hbm>>
    tpu.enqueue_indirect_dma source(%dma_start3A_23 : memref<8192x1024xf32, #tpu.memory_space<hbm>>) target(%dma_start3A_17 : memref<16x1024xf32, #tpu.memory_space<vmem>>) offsets(%dma_start3A_20 : memref<16xi32, #tpu.memory_space<vmem>>) semaphore(%arg8 : memref<!tpu.dma_semaphore, #tpu.memory_space<semaphore_mem>>)
    %scan3A = arith.constant 0 : i32
    %scan3A_24 = arith.constant 0 : i32
    %scan3A_25 = arith.constant 16 : i32
    %scan3A_26 = arith.addi %scan3A_24, %scan3A_25 : i32
    %scan3A_27 = arith.constant 1 : i32
    scf.for %scan3A_88 = %scan3A_24 to %scan3A_26 step %scan3A_27  : i32 {
      %mul3A_89 = arith.constant 4 : i32
      %mul3A_90 = arith.muli %scan3A_88, %mul3A_89 : i32
      %add3A_91 = arith.constant 0 : i32
      %add3A_92 = arith.addi %mul3A_90, %add3A_91 : i32
      %add3A_93 = arith.constant 2 : i32
      %add3A_94 = arith.addi %add3A_92, %add3A_93 : i32
      %lt3A = arith.constant 64 : i32
      %lt3A_95 = arith.cmpi slt, %add3A_94, %lt3A : i32
      %convert_element_type3A = arith.extui %lt3A_95 : i1 to i32
      %cond3A = arith.constant 0 : i32
      %cond3A_96 = arith.cmpi ne, %convert_element_type3A, %cond3A : i32
      scf.if %cond3A_96 {
        %ge3A = arith.constant 2 : i32
        %ge3A_246 = arith.cmpi sge, %add3A_92, %ge3A : i32
        %convert_element_type3A_247 = arith.extui %ge3A_246 : i1 to i32
        %cond3A_248 = arith.constant 0 : i32
        %cond3A_249 = arith.cmpi ne, %convert_element_type3A_247, %cond3A_248 : i32
        scf.if %cond3A_249 {
          %mul3A_263 = arith.constant 16 : i32
          %mul3A_264 = arith.muli %add3A, %mul3A_263 : i32
          %dma_wait3A_265 = arith.constant 2 : i32
          %dma_wait3A_266 = arith.constant 0 : i32
          %dma_wait3A_267 = arith.constant 0 : i32
          %dma_wait3A_268 = tpu.memref_slice %arg6[%dma_wait3A_265, %dma_wait3A_266, %dma_wait3A_267] : memref<4x16x1024xf32, #tpu.memory_space<vmem>> -> memref<1x16x1024xf32, #tpu.memory_space<vmem>>
          %dma_wait3A_269 = tpu.memref_squeeze %dma_wait3A_268 : memref<1x16x1024xf32, #tpu.memory_space<vmem>> -> memref<16x1024xf32, #tpu.memory_space<vmem>>
          %dma_wait3A_270 = arith.constant 0 : i32
          %dma_wait3A_271 = tpu.memref_slice %arg4[%mul3A_264, %dma_wait3A_270] : memref<32768x1024xf32, #tpu.memory_space<hbm>> -> memref<16x1024xf32, #tpu.memory_space<hbm>>
          %dma_wait3A_272 = arith.constant 0 : i32
          %dma_wait3A_273 = tpu.memref_slice %arg4[%mul3A_264, %dma_wait3A_272] : memref<32768x1024xf32, #tpu.memory_space<hbm>> -> memref<16x1024xf32, #tpu.memory_space<hbm>>
          %dma_wait3A_274 = arith.constant 0 : i32
          %dma_wait3A_275 = arith.constant 0 : i32
          %dma_wait3A_276 = tpu.memref_slice %arg6[%dma_wait3A_265, %dma_wait3A_274, %dma_wait3A_275] : memref<4x16x1024xf32, #tpu.memory_space<vmem>> -> memref<1x16x1024xf32, #tpu.memory_space<vmem>>
          %dma_wait3A_277 = tpu.memref_squeeze %dma_wait3A_276 : memref<1x16x1024xf32, #tpu.memory_space<vmem>> -> memref<16x1024xf32, #tpu.memory_space<vmem>>
          tpu.wait_dma2 semaphore(%arg13 : memref<!tpu.dma_semaphore, #tpu.memory_space<semaphore_mem>>) src(%dma_wait3A_277 : memref<16x1024xf32, #tpu.memory_space<vmem>>) dst(%dma_wait3A_273 : memref<16x1024xf32, #tpu.memory_space<hbm>>)
        } else {
        }
        %add3A_250 = arith.constant 2 : i32
        %add3A_251 = arith.addi %add3A_92, %add3A_250 : i32
        %dma_start3A_252 = arith.constant 2 : i32
        %dma_start3A_253 = arith.constant 0 : i32
        %dma_start3A_254 = arith.constant 0 : i32
        %dma_start3A_255 = tpu.memref_slice %arg6[%dma_start3A_252, %dma_start3A_253, %dma_start3A_254] : memref<4x16x1024xf32, #tpu.memory_space<vmem>> -> memref<1x16x1024xf32, #tpu.memory_space<vmem>>
        %dma_start3A_256 = tpu.memref_squeeze %dma_start3A_255 : memref<1x16x1024xf32, #tpu.memory_space<vmem>> -> memref<16x1024xf32, #tpu.memory_space<vmem>>
        %dma_start3A_257 = arith.constant 0 : i32
        %dma_start3A_258 = tpu.memref_slice %arg5[%add3A_251, %dma_start3A_257] : memref<64x16xi32, #tpu.memory_space<vmem>> -> memref<1x16xi32, #tpu.memory_space<vmem>>
        %dma_start3A_259 = tpu.memref_squeeze %dma_start3A_258 : memref<1x16xi32, #tpu.memory_space<vmem>> -> memref<16xi32, #tpu.memory_space<vmem>>
        %dma_start3A_260 = arith.constant 0 : i32
        %dma_start3A_261 = arith.constant 0 : i32
        %dma_start3A_262 = tpu.memref_slice %arg2[%dma_start3A_260, %dma_start3A_261] : memref<8192x1024xf32, #tpu.memory_space<hbm>> -> memref<8192x1024xf32, #tpu.memory_space<hbm>>
        tpu.enqueue_indirect_dma source(%dma_start3A_262 : memref<8192x1024xf32, #tpu.memory_space<hbm>>) target(%dma_start3A_256 : memref<16x1024xf32, #tpu.memory_space<vmem>>) offsets(%dma_start3A_259 : memref<16xi32, #tpu.memory_space<vmem>>) semaphore(%arg9 : memref<!tpu.dma_semaphore, #tpu.memory_space<semaphore_mem>>)
      } else {
      }
      %dma_wait3A_97 = arith.constant 0 : i32
      %dma_wait3A_98 = arith.constant 0 : i32
      %dma_wait3A_99 = arith.constant 0 : i32
      %dma_wait3A_100 = tpu.memref_slice %arg6[%dma_wait3A_97, %dma_wait3A_98, %dma_wait3A_99] : memref<4x16x1024xf32, #tpu.memory_space<vmem>> -> memref<1x16x1024xf32, #tpu.memory_space<vmem>>
      %dma_wait3A_101 = tpu.memref_squeeze %dma_wait3A_100 : memref<1x16x1024xf32, #tpu.memory_space<vmem>> -> memref<16x1024xf32, #tpu.memory_space<vmem>>
      %dma_wait3A_102 = arith.constant 0 : i32
      %dma_wait3A_103 = tpu.memref_slice %arg5[%add3A_92, %dma_wait3A_102] : memref<64x16xi32, #tpu.memory_space<vmem>> -> memref<1x16xi32, #tpu.memory_space<vmem>>
      %dma_wait3A_104 = tpu.memref_squeeze %dma_wait3A_103 : memref<1x16xi32, #tpu.memory_space<vmem>> -> memref<16xi32, #tpu.memory_space<vmem>>
      %dma_wait3A_105 = arith.constant 0 : i32
      %dma_wait3A_106 = arith.constant 0 : i32
      %dma_wait3A_107 = tpu.memref_slice %arg2[%dma_wait3A_105, %dma_wait3A_106] : memref<8192x1024xf32, #tpu.memory_space<hbm>> -> memref<8192x1024xf32, #tpu.memory_space<hbm>>
      tpu.wait_indirect_dma semaphore(%arg7 : memref<!tpu.dma_semaphore, #tpu.memory_space<semaphore_mem>>) src(%dma_wait3A_107 : memref<8192x1024xf32, #tpu.memory_space<hbm>>) dst(%dma_wait3A_101 : memref<16x1024xf32, #tpu.memory_space<vmem>>)
      %mul3A_108 = arith.constant 32 : i32
      %mul3A_109 = arith.muli %add3A_92, %mul3A_108 : i32
      %add3A_110 = arith.addi %mul3A_109, %add3A : i32
      %mul3A_111 = arith.constant 16 : i32
      %mul3A_112 = arith.muli %add3A_110, %mul3A_111 : i32
      %dma_start3A_113 = arith.constant 0 : i32
      %dma_start3A_114 = arith.constant 0 : i32
      %dma_start3A_115 = arith.constant 0 : i32
      %dma_start3A_116 = tpu.memref_slice %arg6[%dma_start3A_113, %dma_start3A_114, %dma_start3A_115] : memref<4x16x1024xf32, #tpu.memory_space<vmem>> -> memref<1x16x1024xf32, #tpu.memory_space<vmem>>
      %dma_start3A_117 = tpu.memref_squeeze %dma_start3A_116 : memref<1x16x1024xf32, #tpu.memory_space<vmem>> -> memref<16x1024xf32, #tpu.memory_space<vmem>>
      %dma_start3A_118 = arith.constant 0 : i32
      %dma_start3A_119 = tpu.memref_slice %arg4[%mul3A_112, %dma_start3A_118] : memref<32768x1024xf32, #tpu.memory_space<hbm>> -> memref<16x1024xf32, #tpu.memory_space<hbm>>
      %dma_start3A_120 = arith.constant 0 : i32
      %dma_start3A_121 = tpu.memref_slice %arg4[%mul3A_112, %dma_start3A_120] : memref<32768x1024xf32, #tpu.memory_space<hbm>> -> memref<16x1024xf32, #tpu.memory_space<hbm>>
      %dma_start3A_122 = arith.constant 0 : i32
      %dma_start3A_123 = arith.constant 0 : i32
      %dma_start3A_124 = tpu.memref_slice %arg6[%dma_start3A_113, %dma_start3A_122, %dma_start3A_123] : memref<4x16x1024xf32, #tpu.memory_space<vmem>> -> memref<1x16x1024xf32, #tpu.memory_space<vmem>>
      %dma_start3A_125 = tpu.memref_squeeze %dma_start3A_124 : memref<1x16x1024xf32, #tpu.memory_space<vmem>> -> memref<16x1024xf32, #tpu.memory_space<vmem>>
      tpu.enqueue_dma source(%dma_start3A_125 : memref<16x1024xf32, #tpu.memory_space<vmem>>) target(%dma_start3A_121 : memref<16x1024xf32, #tpu.memory_space<hbm>>) target_semaphore(%arg11 : memref<!tpu.dma_semaphore, #tpu.memory_space<semaphore_mem>>)
      %mul3A_126 = arith.constant 4 : i32
      %mul3A_127 = arith.muli %scan3A_88, %mul3A_126 : i32
      %add3A_128 = arith.constant 1 : i32
      %add3A_129 = arith.addi %mul3A_127, %add3A_128 : i32
      %add3A_130 = arith.constant 2 : i32
      %add3A_131 = arith.addi %add3A_129, %add3A_130 : i32
      %lt3A_132 = arith.constant 64 : i32
      %lt3A_133 = arith.cmpi slt, %add3A_131, %lt3A_132 : i32
      %convert_element_type3A_134 = arith.extui %lt3A_133 : i1 to i32
      %cond3A_135 = arith.constant 0 : i32
      %cond3A_136 = arith.cmpi ne, %convert_element_type3A_134, %cond3A_135 : i32
      scf.if %cond3A_136 {
        %ge3A = arith.constant 2 : i32
        %ge3A_246 = arith.cmpi sge, %add3A_129, %ge3A : i32
        %convert_element_type3A_247 = arith.extui %ge3A_246 : i1 to i32
        %cond3A_248 = arith.constant 0 : i32
        %cond3A_249 = arith.cmpi ne, %convert_element_type3A_247, %cond3A_248 : i32
        scf.if %cond3A_249 {
          %mul3A_263 = arith.constant 16 : i32
          %mul3A_264 = arith.muli %add3A, %mul3A_263 : i32
          %dma_wait3A_265 = arith.constant 3 : i32
          %dma_wait3A_266 = arith.constant 0 : i32
          %dma_wait3A_267 = arith.constant 0 : i32
          %dma_wait3A_268 = tpu.memref_slice %arg6[%dma_wait3A_265, %dma_wait3A_266, %dma_wait3A_267] : memref<4x16x1024xf32, #tpu.memory_space<vmem>> -> memref<1x16x1024xf32, #tpu.memory_space<vmem>>
          %dma_wait3A_269 = tpu.memref_squeeze %dma_wait3A_268 : memref<1x16x1024xf32, #tpu.memory_space<vmem>> -> memref<16x1024xf32, #tpu.memory_space<vmem>>
          %dma_wait3A_270 = arith.constant 0 : i32
          %dma_wait3A_271 = tpu.memref_slice %arg4[%mul3A_264, %dma_wait3A_270] : memref<32768x1024xf32, #tpu.memory_space<hbm>> -> memref<16x1024xf32, #tpu.memory_space<hbm>>
          %dma_wait3A_272 = arith.constant 0 : i32
          %dma_wait3A_273 = tpu.memref_slice %arg4[%mul3A_264, %dma_wait3A_272] : memref<32768x1024xf32, #tpu.memory_space<hbm>> -> memref<16x1024xf32, #tpu.memory_space<hbm>>
          %dma_wait3A_274 = arith.constant 0 : i32
          %dma_wait3A_275 = arith.constant 0 : i32
          %dma_wait3A_276 = tpu.memref_slice %arg6[%dma_wait3A_265, %dma_wait3A_274, %dma_wait3A_275] : memref<4x16x1024xf32, #tpu.memory_space<vmem>> -> memref<1x16x1024xf32, #tpu.memory_space<vmem>>
          %dma_wait3A_277 = tpu.memref_squeeze %dma_wait3A_276 : memref<1x16x1024xf32, #tpu.memory_space<vmem>> -> memref<16x1024xf32, #tpu.memory_space<vmem>>
          tpu.wait_dma2 semaphore(%arg14 : memref<!tpu.dma_semaphore, #tpu.memory_space<semaphore_mem>>) src(%dma_wait3A_277 : memref<16x1024xf32, #tpu.memory_space<vmem>>) dst(%dma_wait3A_273 : memref<16x1024xf32, #tpu.memory_space<hbm>>)
        } else {
        }
        %add3A_250 = arith.constant 2 : i32
        %add3A_251 = arith.addi %add3A_129, %add3A_250 : i32
        %dma_start3A_252 = arith.constant 3 : i32
        %dma_start3A_253 = arith.constant 0 : i32
        %dma_start3A_254 = arith.constant 0 : i32
        %dma_start3A_255 = tpu.memref_slice %arg6[%dma_start3A_252, %dma_start3A_253, %dma_start3A_254] : memref<4x16x1024xf32, #tpu.memory_space<vmem>> -> memref<1x16x1024xf32, #tpu.memory_space<vmem>>
        %dma_start3A_256 = tpu.memref_squeeze %dma_start3A_255 : memref<1x16x1024xf32, #tpu.memory_space<vmem>> -> memref<16x1024xf32, #tpu.memory_space<vmem>>
        %dma_start3A_257 = arith.constant 0 : i32
        %dma_start3A_258 = tpu.memref_slice %arg5[%add3A_251, %dma_start3A_257] : memref<64x16xi32, #tpu.memory_space<vmem>> -> memref<1x16xi32, #tpu.memory_space<vmem>>
        %dma_start3A_259 = tpu.memref_squeeze %dma_start3A_258 : memref<1x16xi32, #tpu.memory_space<vmem>> -> memref<16xi32, #tpu.memory_space<vmem>>
        %dma_start3A_260 = arith.constant 0 : i32
        %dma_start3A_261 = arith.constant 0 : i32
        %dma_start3A_262 = tpu.memref_slice %arg2[%dma_start3A_260, %dma_start3A_261] : memref<8192x1024xf32, #tpu.memory_space<hbm>> -> memref<8192x1024xf32, #tpu.memory_space<hbm>>
        tpu.enqueue_indirect_dma source(%dma_start3A_262 : memref<8192x1024xf32, #tpu.memory_space<hbm>>) target(%dma_start3A_256 : memref<16x1024xf32, #tpu.memory_space<vmem>>) offsets(%dma_start3A_259 : memref<16xi32, #tpu.memory_space<vmem>>) semaphore(%arg10 : memref<!tpu.dma_semaphore, #tpu.memory_space<semaphore_mem>>)
      } else {
      }
      %dma_wait3A_137 = arith.constant 1 : i32
      %dma_wait3A_138 = arith.constant 0 : i32
      %dma_wait3A_139 = arith.constant 0 : i32
      %dma_wait3A_140 = tpu.memref_slice %arg6[%dma_wait3A_137, %dma_wait3A_138, %dma_wait3A_139] : memref<4x16x1024xf32, #tpu.memory_space<vmem>> -> memref<1x16x1024xf32, #tpu.memory_space<vmem>>
      %dma_wait3A_141 = tpu.memref_squeeze %dma_wait3A_140 : memref<1x16x1024xf32, #tpu.memory_space<vmem>> -> memref<16x1024xf32, #tpu.memory_space<vmem>>
      %dma_wait3A_142 = arith.constant 0 : i32
      %dma_wait3A_143 = tpu.memref_slice %arg5[%add3A_129, %dma_wait3A_142] : memref<64x16xi32, #tpu.memory_space<vmem>> -> memref<1x16xi32, #tpu.memory_space<vmem>>
      %dma_wait3A_144 = tpu.memref_squeeze %dma_wait3A_143 : memref<1x16xi32, #tpu.memory_space<vmem>> -> memref<16xi32, #tpu.memory_space<vmem>>
      %dma_wait3A_145 = arith.constant 0 : i32
      %dma_wait3A_146 = arith.constant 0 : i32
      %dma_wait3A_147 = tpu.memref_slice %arg2[%dma_wait3A_145, %dma_wait3A_146] : memref<8192x1024xf32, #tpu.memory_space<hbm>> -> memref<8192x1024xf32, #tpu.memory_space<hbm>>
      tpu.wait_indirect_dma semaphore(%arg8 : memref<!tpu.dma_semaphore, #tpu.memory_space<semaphore_mem>>) src(%dma_wait3A_147 : memref<8192x1024xf32, #tpu.memory_space<hbm>>) dst(%dma_wait3A_141 : memref<16x1024xf32, #tpu.memory_space<vmem>>)
      %mul3A_148 = arith.constant 32 : i32
      %mul3A_149 = arith.muli %add3A_129, %mul3A_148 : i32
      %add3A_150 = arith.addi %mul3A_149, %add3A : i32
      %mul3A_151 = arith.constant 16 : i32
      %mul3A_152 = arith.muli %add3A_150, %mul3A_151 : i32
      %dma_start3A_153 = arith.constant 1 : i32
      %dma_start3A_154 = arith.constant 0 : i32
      %dma_start3A_155 = arith.constant 0 : i32
      %dma_start3A_156 = tpu.memref_slice %arg6[%dma_start3A_153, %dma_start3A_154, %dma_start3A_155] : memref<4x16x1024xf32, #tpu.memory_space<vmem>> -> memref<1x16x1024xf32, #tpu.memory_space<vmem>>
      %dma_start3A_157 = tpu.memref_squeeze %dma_start3A_156 : memref<1x16x1024xf32, #tpu.memory_space<vmem>> -> memref<16x1024xf32, #tpu.memory_space<vmem>>
      %dma_start3A_158 = arith.constant 0 : i32
      %dma_start3A_159 = tpu.memref_slice %arg4[%mul3A_152, %dma_start3A_158] : memref<32768x1024xf32, #tpu.memory_space<hbm>> -> memref<16x1024xf32, #tpu.memory_space<hbm>>
      %dma_start3A_160 = arith.constant 0 : i32
      %dma_start3A_161 = tpu.memref_slice %arg4[%mul3A_152, %dma_start3A_160] : memref<32768x1024xf32, #tpu.memory_space<hbm>> -> memref<16x1024xf32, #tpu.memory_space<hbm>>
      %dma_start3A_162 = arith.constant 0 : i32
      %dma_start3A_163 = arith.constant 0 : i32
      %dma_start3A_164 = tpu.memref_slice %arg6[%dma_start3A_153, %dma_start3A_162, %dma_start3A_163] : memref<4x16x1024xf32, #tpu.memory_space<vmem>> -> memref<1x16x1024xf32, #tpu.memory_space<vmem>>
      %dma_start3A_165 = tpu.memref_squeeze %dma_start3A_164 : memref<1x16x1024xf32, #tpu.memory_space<vmem>> -> memref<16x1024xf32, #tpu.memory_space<vmem>>
      tpu.enqueue_dma source(%dma_start3A_165 : memref<16x1024xf32, #tpu.memory_space<vmem>>) target(%dma_start3A_161 : memref<16x1024xf32, #tpu.memory_space<hbm>>) target_semaphore(%arg12 : memref<!tpu.dma_semaphore, #tpu.memory_space<semaphore_mem>>)
      %mul3A_166 = arith.constant 4 : i32
      %mul3A_167 = arith.muli %scan3A_88, %mul3A_166 : i32
      %add3A_168 = arith.constant 2 : i32
      %add3A_169 = arith.addi %mul3A_167, %add3A_168 : i32
      %add3A_170 = arith.constant 2 : i32
      %add3A_171 = arith.addi %add3A_169, %add3A_170 : i32
      %lt3A_172 = arith.constant 64 : i32
      %lt3A_173 = arith.cmpi slt, %add3A_171, %lt3A_172 : i32
      %convert_element_type3A_174 = arith.extui %lt3A_173 : i1 to i32
      %cond3A_175 = arith.constant 0 : i32
      %cond3A_176 = arith.cmpi ne, %convert_element_type3A_174, %cond3A_175 : i32
      scf.if %cond3A_176 {
        %ge3A = arith.constant 2 : i32
        %ge3A_246 = arith.cmpi sge, %add3A_169, %ge3A : i32
        %convert_element_type3A_247 = arith.extui %ge3A_246 : i1 to i32
        %cond3A_248 = arith.constant 0 : i32
        %cond3A_249 = arith.cmpi ne, %convert_element_type3A_247, %cond3A_248 : i32
        scf.if %cond3A_249 {
          %mul3A_263 = arith.constant 16 : i32
          %mul3A_264 = arith.muli %add3A, %mul3A_263 : i32
          %dma_wait3A_265 = arith.constant 0 : i32
          %dma_wait3A_266 = arith.constant 0 : i32
          %dma_wait3A_267 = arith.constant 0 : i32
          %dma_wait3A_268 = tpu.memref_slice %arg6[%dma_wait3A_265, %dma_wait3A_266, %dma_wait3A_267] : memref<4x16x1024xf32, #tpu.memory_space<vmem>> -> memref<1x16x1024xf32, #tpu.memory_space<vmem>>
          %dma_wait3A_269 = tpu.memref_squeeze %dma_wait3A_268 : memref<1x16x1024xf32, #tpu.memory_space<vmem>> -> memref<16x1024xf32, #tpu.memory_space<vmem>>
          %dma_wait3A_270 = arith.constant 0 : i32
          %dma_wait3A_271 = tpu.memref_slice %arg4[%mul3A_264, %dma_wait3A_270] : memref<32768x1024xf32, #tpu.memory_space<hbm>> -> memref<16x1024xf32, #tpu.memory_space<hbm>>
          %dma_wait3A_272 = arith.constant 0 : i32
          %dma_wait3A_273 = tpu.memref_slice %arg4[%mul3A_264, %dma_wait3A_272] : memref<32768x1024xf32, #tpu.memory_space<hbm>> -> memref<16x1024xf32, #tpu.memory_space<hbm>>
          %dma_wait3A_274 = arith.constant 0 : i32
          %dma_wait3A_275 = arith.constant 0 : i32
          %dma_wait3A_276 = tpu.memref_slice %arg6[%dma_wait3A_265, %dma_wait3A_274, %dma_wait3A_275] : memref<4x16x1024xf32, #tpu.memory_space<vmem>> -> memref<1x16x1024xf32, #tpu.memory_space<vmem>>
          %dma_wait3A_277 = tpu.memref_squeeze %dma_wait3A_276 : memref<1x16x1024xf32, #tpu.memory_space<vmem>> -> memref<16x1024xf32, #tpu.memory_space<vmem>>
          tpu.wait_dma2 semaphore(%arg11 : memref<!tpu.dma_semaphore, #tpu.memory_space<semaphore_mem>>) src(%dma_wait3A_277 : memref<16x1024xf32, #tpu.memory_space<vmem>>) dst(%dma_wait3A_273 : memref<16x1024xf32, #tpu.memory_space<hbm>>)
        } else {
        }
        %add3A_250 = arith.constant 2 : i32
        %add3A_251 = arith.addi %add3A_169, %add3A_250 : i32
        %dma_start3A_252 = arith.constant 0 : i32
        %dma_start3A_253 = arith.constant 0 : i32
        %dma_start3A_254 = arith.constant 0 : i32
        %dma_start3A_255 = tpu.memref_slice %arg6[%dma_start3A_252, %dma_start3A_253, %dma_start3A_254] : memref<4x16x1024xf32, #tpu.memory_space<vmem>> -> memref<1x16x1024xf32, #tpu.memory_space<vmem>>
        %dma_start3A_256 = tpu.memref_squeeze %dma_start3A_255 : memref<1x16x1024xf32, #tpu.memory_space<vmem>> -> memref<16x1024xf32, #tpu.memory_space<vmem>>
        %dma_start3A_257 = arith.constant 0 : i32
        %dma_start3A_258 = tpu.memref_slice %arg5[%add3A_251, %dma_start3A_257] : memref<64x16xi32, #tpu.memory_space<vmem>> -> memref<1x16xi32, #tpu.memory_space<vmem>>
        %dma_start3A_259 = tpu.memref_squeeze %dma_start3A_258 : memref<1x16xi32, #tpu.memory_space<vmem>> -> memref<16xi32, #tpu.memory_space<vmem>>
        %dma_start3A_260 = arith.constant 0 : i32
        %dma_start3A_261 = arith.constant 0 : i32
        %dma_start3A_262 = tpu.memref_slice %arg2[%dma_start3A_260, %dma_start3A_261] : memref<8192x1024xf32, #tpu.memory_space<hbm>> -> memref<8192x1024xf32, #tpu.memory_space<hbm>>
        tpu.enqueue_indirect_dma source(%dma_start3A_262 : memref<8192x1024xf32, #tpu.memory_space<hbm>>) target(%dma_start3A_256 : memref<16x1024xf32, #tpu.memory_space<vmem>>) offsets(%dma_start3A_259 : memref<16xi32, #tpu.memory_space<vmem>>) semaphore(%arg7 : memref<!tpu.dma_semaphore, #tpu.memory_space<semaphore_mem>>)
      } else {
      }
      %dma_wait3A_177 = arith.constant 2 : i32
      %dma_wait3A_178 = arith.constant 0 : i32
      %dma_wait3A_179 = arith.constant 0 : i32
      %dma_wait3A_180 = tpu.memref_slice %arg6[%dma_wait3A_177, %dma_wait3A_178, %dma_wait3A_179] : memref<4x16x1024xf32, #tpu.memory_space<vmem>> -> memref<1x16x1024xf32, #tpu.memory_space<vmem>>
      %dma_wait3A_181 = tpu.memref_squeeze %dma_wait3A_180 : memref<1x16x1024xf32, #tpu.memory_space<vmem>> -> memref<16x1024xf32, #tpu.memory_space<vmem>>
      %dma_wait3A_182 = arith.constant 0 : i32
      %dma_wait3A_183 = tpu.memref_slice %arg5[%add3A_169, %dma_wait3A_182] : memref<64x16xi32, #tpu.memory_space<vmem>> -> memref<1x16xi32, #tpu.memory_space<vmem>>
      %dma_wait3A_184 = tpu.memref_squeeze %dma_wait3A_183 : memref<1x16xi32, #tpu.memory_space<vmem>> -> memref<16xi32, #tpu.memory_space<vmem>>
      %dma_wait3A_185 = arith.constant 0 : i32
      %dma_wait3A_186 = arith.constant 0 : i32
      %dma_wait3A_187 = tpu.memref_slice %arg2[%dma_wait3A_185, %dma_wait3A_186] : memref<8192x1024xf32, #tpu.memory_space<hbm>> -> memref<8192x1024xf32, #tpu.memory_space<hbm>>
      tpu.wait_indirect_dma semaphore(%arg9 : memref<!tpu.dma_semaphore, #tpu.memory_space<semaphore_mem>>) src(%dma_wait3A_187 : memref<8192x1024xf32, #tpu.memory_space<hbm>>) dst(%dma_wait3A_181 : memref<16x1024xf32, #tpu.memory_space<vmem>>)
      %mul3A_188 = arith.constant 32 : i32
      %mul3A_189 = arith.muli %add3A_169, %mul3A_188 : i32
      %add3A_190 = arith.addi %mul3A_189, %add3A : i32
      %mul3A_191 = arith.constant 16 : i32
      %mul3A_192 = arith.muli %add3A_190, %mul3A_191 : i32
      %dma_start3A_193 = arith.constant 2 : i32
      %dma_start3A_194 = arith.constant 0 : i32
      %dma_start3A_195 = arith.constant 0 : i32
      %dma_start3A_196 = tpu.memref_slice %arg6[%dma_start3A_193, %dma_start3A_194, %dma_start3A_195] : memref<4x16x1024xf32, #tpu.memory_space<vmem>> -> memref<1x16x1024xf32, #tpu.memory_space<vmem>>
      %dma_start3A_197 = tpu.memref_squeeze %dma_start3A_196 : memref<1x16x1024xf32, #tpu.memory_space<vmem>> -> memref<16x1024xf32, #tpu.memory_space<vmem>>
      %dma_start3A_198 = arith.constant 0 : i32
      %dma_start3A_199 = tpu.memref_slice %arg4[%mul3A_192, %dma_start3A_198] : memref<32768x1024xf32, #tpu.memory_space<hbm>> -> memref<16x1024xf32, #tpu.memory_space<hbm>>
      %dma_start3A_200 = arith.constant 0 : i32
      %dma_start3A_201 = tpu.memref_slice %arg4[%mul3A_192, %dma_start3A_200] : memref<32768x1024xf32, #tpu.memory_space<hbm>> -> memref<16x1024xf32, #tpu.memory_space<hbm>>
      %dma_start3A_202 = arith.constant 0 : i32
      %dma_start3A_203 = arith.constant 0 : i32
      %dma_start3A_204 = tpu.memref_slice %arg6[%dma_start3A_193, %dma_start3A_202, %dma_start3A_203] : memref<4x16x1024xf32, #tpu.memory_space<vmem>> -> memref<1x16x1024xf32, #tpu.memory_space<vmem>>
      %dma_start3A_205 = tpu.memref_squeeze %dma_start3A_204 : memref<1x16x1024xf32, #tpu.memory_space<vmem>> -> memref<16x1024xf32, #tpu.memory_space<vmem>>
      tpu.enqueue_dma source(%dma_start3A_205 : memref<16x1024xf32, #tpu.memory_space<vmem>>) target(%dma_start3A_201 : memref<16x1024xf32, #tpu.memory_space<hbm>>) target_semaphore(%arg13 : memref<!tpu.dma_semaphore, #tpu.memory_space<semaphore_mem>>)
      %mul3A_206 = arith.constant 4 : i32
      %mul3A_207 = arith.muli %scan3A_88, %mul3A_206 : i32
      %add3A_208 = arith.constant 3 : i32
      %add3A_209 = arith.addi %mul3A_207, %add3A_208 : i32
      %add3A_210 = arith.constant 2 : i32
      %add3A_211 = arith.addi %add3A_209, %add3A_210 : i32
      %lt3A_212 = arith.constant 64 : i32
      %lt3A_213 = arith.cmpi slt, %add3A_211, %lt3A_212 : i32
      %convert_element_type3A_214 = arith.extui %lt3A_213 : i1 to i32
      %cond3A_215 = arith.constant 0 : i32
      %cond3A_216 = arith.cmpi ne, %convert_element_type3A_214, %cond3A_215 : i32
      scf.if %cond3A_216 {
        %ge3A = arith.constant 2 : i32
        %ge3A_246 = arith.cmpi sge, %add3A_209, %ge3A : i32
        %convert_element_type3A_247 = arith.extui %ge3A_246 : i1 to i32
        %cond3A_248 = arith.constant 0 : i32
        %cond3A_249 = arith.cmpi ne, %convert_element_type3A_247, %cond3A_248 : i32
        scf.if %cond3A_249 {
          %mul3A_263 = arith.constant 16 : i32
          %mul3A_264 = arith.muli %add3A, %mul3A_263 : i32
          %dma_wait3A_265 = arith.constant 1 : i32
          %dma_wait3A_266 = arith.constant 0 : i32
          %dma_wait3A_267 = arith.constant 0 : i32
          %dma_wait3A_268 = tpu.memref_slice %arg6[%dma_wait3A_265, %dma_wait3A_266, %dma_wait3A_267] : memref<4x16x1024xf32, #tpu.memory_space<vmem>> -> memref<1x16x1024xf32, #tpu.memory_space<vmem>>
          %dma_wait3A_269 = tpu.memref_squeeze %dma_wait3A_268 : memref<1x16x1024xf32, #tpu.memory_space<vmem>> -> memref<16x1024xf32, #tpu.memory_space<vmem>>
          %dma_wait3A_270 = arith.constant 0 : i32
          %dma_wait3A_271 = tpu.memref_slice %arg4[%mul3A_264, %dma_wait3A_270] : memref<32768x1024xf32, #tpu.memory_space<hbm>> -> memref<16x1024xf32, #tpu.memory_space<hbm>>
          %dma_wait3A_272 = arith.constant 0 : i32
          %dma_wait3A_273 = tpu.memref_slice %arg4[%mul3A_264, %dma_wait3A_272] : memref<32768x1024xf32, #tpu.memory_space<hbm>> -> memref<16x1024xf32, #tpu.memory_space<hbm>>
          %dma_wait3A_274 = arith.constant 0 : i32
          %dma_wait3A_275 = arith.constant 0 : i32
          %dma_wait3A_276 = tpu.memref_slice %arg6[%dma_wait3A_265, %dma_wait3A_274, %dma_wait3A_275] : memref<4x16x1024xf32, #tpu.memory_space<vmem>> -> memref<1x16x1024xf32, #tpu.memory_space<vmem>>
          %dma_wait3A_277 = tpu.memref_squeeze %dma_wait3A_276 : memref<1x16x1024xf32, #tpu.memory_space<vmem>> -> memref<16x1024xf32, #tpu.memory_space<vmem>>
          tpu.wait_dma2 semaphore(%arg12 : memref<!tpu.dma_semaphore, #tpu.memory_space<semaphore_mem>>) src(%dma_wait3A_277 : memref<16x1024xf32, #tpu.memory_space<vmem>>) dst(%dma_wait3A_273 : memref<16x1024xf32, #tpu.memory_space<hbm>>)
        } else {
        }
        %add3A_250 = arith.constant 2 : i32
        %add3A_251 = arith.addi %add3A_209, %add3A_250 : i32
        %dma_start3A_252 = arith.constant 1 : i32
        %dma_start3A_253 = arith.constant 0 : i32
        %dma_start3A_254 = arith.constant 0 : i32
        %dma_start3A_255 = tpu.memref_slice %arg6[%dma_start3A_252, %dma_start3A_253, %dma_start3A_254] : memref<4x16x1024xf32, #tpu.memory_space<vmem>> -> memref<1x16x1024xf32, #tpu.memory_space<vmem>>
        %dma_start3A_256 = tpu.memref_squeeze %dma_start3A_255 : memref<1x16x1024xf32, #tpu.memory_space<vmem>> -> memref<16x1024xf32, #tpu.memory_space<vmem>>
        %dma_start3A_257 = arith.constant 0 : i32
        %dma_start3A_258 = tpu.memref_slice %arg5[%add3A_251, %dma_start3A_257] : memref<64x16xi32, #tpu.memory_space<vmem>> -> memref<1x16xi32, #tpu.memory_space<vmem>>
        %dma_start3A_259 = tpu.memref_squeeze %dma_start3A_258 : memref<1x16xi32, #tpu.memory_space<vmem>> -> memref<16xi32, #tpu.memory_space<vmem>>
        %dma_start3A_260 = arith.constant 0 : i32
        %dma_start3A_261 = arith.constant 0 : i32
        %dma_start3A_262 = tpu.memref_slice %arg2[%dma_start3A_260, %dma_start3A_261] : memref<8192x1024xf32, #tpu.memory_space<hbm>> -> memref<8192x1024xf32, #tpu.memory_space<hbm>>
        tpu.enqueue_indirect_dma source(%dma_start3A_262 : memref<8192x1024xf32, #tpu.memory_space<hbm>>) target(%dma_start3A_256 : memref<16x1024xf32, #tpu.memory_space<vmem>>) offsets(%dma_start3A_259 : memref<16xi32, #tpu.memory_space<vmem>>) semaphore(%arg8 : memref<!tpu.dma_semaphore, #tpu.memory_space<semaphore_mem>>)
      } else {
      }
      %dma_wait3A_217 = arith.constant 3 : i32
      %dma_wait3A_218 = arith.constant 0 : i32
      %dma_wait3A_219 = arith.constant 0 : i32
      %dma_wait3A_220 = tpu.memref_slice %arg6[%dma_wait3A_217, %dma_wait3A_218, %dma_wait3A_219] : memref<4x16x1024xf32, #tpu.memory_space<vmem>> -> memref<1x16x1024xf32, #tpu.memory_space<vmem>>
      %dma_wait3A_221 = tpu.memref_squeeze %dma_wait3A_220 : memref<1x16x1024xf32, #tpu.memory_space<vmem>> -> memref<16x1024xf32, #tpu.memory_space<vmem>>
      %dma_wait3A_222 = arith.constant 0 : i32
      %dma_wait3A_223 = tpu.memref_slice %arg5[%add3A_209, %dma_wait3A_222] : memref<64x16xi32, #tpu.memory_space<vmem>> -> memref<1x16xi32, #tpu.memory_space<vmem>>
      %dma_wait3A_224 = tpu.memref_squeeze %dma_wait3A_223 : memref<1x16xi32, #tpu.memory_space<vmem>> -> memref<16xi32, #tpu.memory_space<vmem>>
      %dma_wait3A_225 = arith.constant 0 : i32
      %dma_wait3A_226 = arith.constant 0 : i32
      %dma_wait3A_227 = tpu.memref_slice %arg2[%dma_wait3A_225, %dma_wait3A_226] : memref<8192x1024xf32, #tpu.memory_space<hbm>> -> memref<8192x1024xf32, #tpu.memory_space<hbm>>
      tpu.wait_indirect_dma semaphore(%arg10 : memref<!tpu.dma_semaphore, #tpu.memory_space<semaphore_mem>>) src(%dma_wait3A_227 : memref<8192x1024xf32, #tpu.memory_space<hbm>>) dst(%dma_wait3A_221 : memref<16x1024xf32, #tpu.memory_space<vmem>>)
      %mul3A_228 = arith.constant 32 : i32
      %mul3A_229 = arith.muli %add3A_209, %mul3A_228 : i32
      %add3A_230 = arith.addi %mul3A_229, %add3A : i32
      %mul3A_231 = arith.constant 16 : i32
      %mul3A_232 = arith.muli %add3A_230, %mul3A_231 : i32
      %dma_start3A_233 = arith.constant 3 : i32
      %dma_start3A_234 = arith.constant 0 : i32
      %dma_start3A_235 = arith.constant 0 : i32
      %dma_start3A_236 = tpu.memref_slice %arg6[%dma_start3A_233, %dma_start3A_234, %dma_start3A_235] : memref<4x16x1024xf32, #tpu.memory_space<vmem>> -> memref<1x16x1024xf32, #tpu.memory_space<vmem>>
      %dma_start3A_237 = tpu.memref_squeeze %dma_start3A_236 : memref<1x16x1024xf32, #tpu.memory_space<vmem>> -> memref<16x1024xf32, #tpu.memory_space<vmem>>
      %dma_start3A_238 = arith.constant 0 : i32
      %dma_start3A_239 = tpu.memref_slice %arg4[%mul3A_232, %dma_start3A_238] : memref<32768x1024xf32, #tpu.memory_space<hbm>> -> memref<16x1024xf32, #tpu.memory_space<hbm>>
      %dma_start3A_240 = arith.constant 0 : i32
      %dma_start3A_241 = tpu.memref_slice %arg4[%mul3A_232, %dma_start3A_240] : memref<32768x1024xf32, #tpu.memory_space<hbm>> -> memref<16x1024xf32, #tpu.memory_space<hbm>>
      %dma_start3A_242 = arith.constant 0 : i32
      %dma_start3A_243 = arith.constant 0 : i32
      %dma_start3A_244 = tpu.memref_slice %arg6[%dma_start3A_233, %dma_start3A_242, %dma_start3A_243] : memref<4x16x1024xf32, #tpu.memory_space<vmem>> -> memref<1x16x1024xf32, #tpu.memory_space<vmem>>
      %dma_start3A_245 = tpu.memref_squeeze %dma_start3A_244 : memref<1x16x1024xf32, #tpu.memory_space<vmem>> -> memref<16x1024xf32, #tpu.memory_space<vmem>>
      tpu.enqueue_dma source(%dma_start3A_245 : memref<16x1024xf32, #tpu.memory_space<vmem>>) target(%dma_start3A_241 : memref<16x1024xf32, #tpu.memory_space<hbm>>) target_semaphore(%arg14 : memref<!tpu.dma_semaphore, #tpu.memory_space<semaphore_mem>>)
    }
    %scan3A_28 = arith.constant 16 : i32
    %mul3A_29 = arith.constant 16 : i32
    %mul3A_30 = arith.muli %add3A, %mul3A_29 : i32
    %dma_wait3A = arith.constant 0 : i32
    %dma_wait3A_31 = arith.constant 0 : i32
    %dma_wait3A_32 = arith.constant 0 : i32
    %dma_wait3A_33 = tpu.memref_slice %arg6[%dma_wait3A, %dma_wait3A_31, %dma_wait3A_32] : memref<4x16x1024xf32, #tpu.memory_space<vmem>> -> memref<1x16x1024xf32, #tpu.memory_space<vmem>>
    %dma_wait3A_34 = tpu.memref_squeeze %dma_wait3A_33 : memref<1x16x1024xf32, #tpu.memory_space<vmem>> -> memref<16x1024xf32, #tpu.memory_space<vmem>>
    %dma_wait3A_35 = arith.constant 0 : i32
    %dma_wait3A_36 = tpu.memref_slice %arg4[%mul3A_30, %dma_wait3A_35] : memref<32768x1024xf32, #tpu.memory_space<hbm>> -> memref<16x1024xf32, #tpu.memory_space<hbm>>
    %dma_wait3A_37 = arith.constant 0 : i32
    %dma_wait3A_38 = tpu.memref_slice %arg4[%mul3A_30, %dma_wait3A_37] : memref<32768x1024xf32, #tpu.memory_space<hbm>> -> memref<16x1024xf32, #tpu.memory_space<hbm>>
    %dma_wait3A_39 = arith.constant 0 : i32
    %dma_wait3A_40 = arith.constant 0 : i32
    %dma_wait3A_41 = tpu.memref_slice %arg6[%dma_wait3A, %dma_wait3A_39, %dma_wait3A_40] : memref<4x16x1024xf32, #tpu.memory_space<vmem>> -> memref<1x16x1024xf32, #tpu.memory_space<vmem>>
    %dma_wait3A_42 = tpu.memref_squeeze %dma_wait3A_41 : memref<1x16x1024xf32, #tpu.memory_space<vmem>> -> memref<16x1024xf32, #tpu.memory_space<vmem>>
    tpu.wait_dma2 semaphore(%arg11 : memref<!tpu.dma_semaphore, #tpu.memory_space<semaphore_mem>>) src(%dma_wait3A_42 : memref<16x1024xf32, #tpu.memory_space<vmem>>) dst(%dma_wait3A_38 : memref<16x1024xf32, #tpu.memory_space<hbm>>)
    %mul3A_43 = arith.constant 16 : i32
    %mul3A_44 = arith.muli %add3A, %mul3A_43 : i32
    %dma_wait3A_45 = arith.constant 1 : i32
    %dma_wait3A_46 = arith.constant 0 : i32
    %dma_wait3A_47 = arith.constant 0 : i32
    %dma_wait3A_48 = tpu.memref_slice %arg6[%dma_wait3A_45, %dma_wait3A_46, %dma_wait3A_47] : memref<4x16x1024xf32, #tpu.memory_space<vmem>> -> memref<1x16x1024xf32, #tpu.memory_space<vmem>>
    %dma_wait3A_49 = tpu.memref_squeeze %dma_wait3A_48 : memref<1x16x1024xf32, #tpu.memory_space<vmem>> -> memref<16x1024xf32, #tpu.memory_space<vmem>>
    %dma_wait3A_50 = arith.constant 0 : i32
    %dma_wait3A_51 = tpu.memref_slice %arg4[%mul3A_44, %dma_wait3A_50] : memref<32768x1024xf32, #tpu.memory_space<hbm>> -> memref<16x1024xf32, #tpu.memory_space<hbm>>
    %dma_wait3A_52 = arith.constant 0 : i32
    %dma_wait3A_53 = tpu.memref_slice %arg4[%mul3A_44, %dma_wait3A_52] : memref<32768x1024xf32, #tpu.memory_space<hbm>> -> memref<16x1024xf32, #tpu.memory_space<hbm>>
    %dma_wait3A_54 = arith.constant 0 : i32
    %dma_wait3A_55 = arith.constant 0 : i32
    %dma_wait3A_56 = tpu.memref_slice %arg6[%dma_wait3A_45, %dma_wait3A_54, %dma_wait3A_55] : memref<4x16x1024xf32, #tpu.memory_space<vmem>> -> memref<1x16x1024xf32, #tpu.memory_space<vmem>>
    %dma_wait3A_57 = tpu.memref_squeeze %dma_wait3A_56 : memref<1x16x1024xf32, #tpu.memory_space<vmem>> -> memref<16x1024xf32, #tpu.memory_space<vmem>>
    tpu.wait_dma2 semaphore(%arg12 : memref<!tpu.dma_semaphore, #tpu.memory_space<semaphore_mem>>) src(%dma_wait3A_57 : memref<16x1024xf32, #tpu.memory_space<vmem>>) dst(%dma_wait3A_53 : memref<16x1024xf32, #tpu.memory_space<hbm>>)
    %mul3A_58 = arith.constant 16 : i32
    %mul3A_59 = arith.muli %add3A, %mul3A_58 : i32
    %dma_wait3A_60 = arith.constant 2 : i32
    %dma_wait3A_61 = arith.constant 0 : i32
    %dma_wait3A_62 = arith.constant 0 : i32
    %dma_wait3A_63 = tpu.memref_slice %arg6[%dma_wait3A_60, %dma_wait3A_61, %dma_wait3A_62] : memref<4x16x1024xf32, #tpu.memory_space<vmem>> -> memref<1x16x1024xf32, #tpu.memory_space<vmem>>
    %dma_wait3A_64 = tpu.memref_squeeze %dma_wait3A_63 : memref<1x16x1024xf32, #tpu.memory_space<vmem>> -> memref<16x1024xf32, #tpu.memory_space<vmem>>
    %dma_wait3A_65 = arith.constant 0 : i32
    %dma_wait3A_66 = tpu.memref_slice %arg4[%mul3A_59, %dma_wait3A_65] : memref<32768x1024xf32, #tpu.memory_space<hbm>> -> memref<16x1024xf32, #tpu.memory_space<hbm>>
    %dma_wait3A_67 = arith.constant 0 : i32
    %dma_wait3A_68 = tpu.memref_slice %arg4[%mul3A_59, %dma_wait3A_67] : memref<32768x1024xf32, #tpu.memory_space<hbm>> -> memref<16x1024xf32, #tpu.memory_space<hbm>>
    %dma_wait3A_69 = arith.constant 0 : i32
    %dma_wait3A_70 = arith.constant 0 : i32
    %dma_wait3A_71 = tpu.memref_slice %arg6[%dma_wait3A_60, %dma_wait3A_69, %dma_wait3A_70] : memref<4x16x1024xf32, #tpu.memory_space<vmem>> -> memref<1x16x1024xf32, #tpu.memory_space<vmem>>
    %dma_wait3A_72 = tpu.memref_squeeze %dma_wait3A_71 : memref<1x16x1024xf32, #tpu.memory_space<vmem>> -> memref<16x1024xf32, #tpu.memory_space<vmem>>
    tpu.wait_dma2 semaphore(%arg13 : memref<!tpu.dma_semaphore, #tpu.memory_space<semaphore_mem>>) src(%dma_wait3A_72 : memref<16x1024xf32, #tpu.memory_space<vmem>>) dst(%dma_wait3A_68 : memref<16x1024xf32, #tpu.memory_space<hbm>>)
    %mul3A_73 = arith.constant 16 : i32
    %mul3A_74 = arith.muli %add3A, %mul3A_73 : i32
    %dma_wait3A_75 = arith.constant 3 : i32
    %dma_wait3A_76 = arith.constant 0 : i32
    %dma_wait3A_77 = arith.constant 0 : i32
    %dma_wait3A_78 = tpu.memref_slice %arg6[%dma_wait3A_75, %dma_wait3A_76, %dma_wait3A_77] : memref<4x16x1024xf32, #tpu.memory_space<vmem>> -> memref<1x16x1024xf32, #tpu.memory_space<vmem>>
    %dma_wait3A_79 = tpu.memref_squeeze %dma_wait3A_78 : memref<1x16x1024xf32, #tpu.memory_space<vmem>> -> memref<16x1024xf32, #tpu.memory_space<vmem>>
    %dma_wait3A_80 = arith.constant 0 : i32
    %dma_wait3A_81 = tpu.memref_slice %arg4[%mul3A_74, %dma_wait3A_80] : memref<32768x1024xf32, #tpu.memory_space<hbm>> -> memref<16x1024xf32, #tpu.memory_space<hbm>>
    %dma_wait3A_82 = arith.constant 0 : i32
    %dma_wait3A_83 = tpu.memref_slice %arg4[%mul3A_74, %dma_wait3A_82] : memref<32768x1024xf32, #tpu.memory_space<hbm>> -> memref<16x1024xf32, #tpu.memory_space<hbm>>
    %dma_wait3A_84 = arith.constant 0 : i32
    %dma_wait3A_85 = arith.constant 0 : i32
    %dma_wait3A_86 = tpu.memref_slice %arg6[%dma_wait3A_75, %dma_wait3A_84, %dma_wait3A_85] : memref<4x16x1024xf32, #tpu.memory_space<vmem>> -> memref<1x16x1024xf32, #tpu.memory_space<vmem>>
    %dma_wait3A_87 = tpu.memref_squeeze %dma_wait3A_86 : memref<1x16x1024xf32, #tpu.memory_space<vmem>> -> memref<16x1024xf32, #tpu.memory_space<vmem>>
    tpu.wait_dma2 semaphore(%arg14 : memref<!tpu.dma_semaphore, #tpu.memory_space<semaphore_mem>>) src(%dma_wait3A_87 : memref<16x1024xf32, #tpu.memory_space<vmem>>) dst(%dma_wait3A_83 : memref<16x1024xf32, #tpu.memory_space<hbm>>)
    return
  }
}

</mosaic_0001>

<sc_bundles>
// kernel: kernel.3.cloned.1.call-start
scs
__scs_entry_jumppad:
0x0: {  	(pc) =	sbr.rel $0x88, $3  }
0x1: {  	(tag) =	ssettag $0x0;
	lr =	simm.s32 $0x1  }
0x2: {  	[smem:$0x3F9F] =	sst lr;
	_ =	strace $0xD0000000  }
0x3: {  	_ = 	snop  }
0x4: {  	_ = 	snop  }
0x5: {  	_ = 	snop  }
0x6: {  	_ = 	snop  }
0x7: {  	_ = 	snop  }
__scs_overlays_trampoline_lowered:
0x8: {  	[smem:$0x3FAE] =	sst s0  }
0x9: {  	[smem:$0x3FAF] =	sst s1  }
0xa: {  	[smem:$0x3FB0] =	sst s2  }
0xb: {  	[smem:$0x3FB1] =	sst s3  }
0xc: {  	[smem:$0x3FB2] =	sst s4  }
0xd: {  	[smem:$0x3FB3] =	sst s5  }
0xe: {  	[smem:$0x3FB4] =	sst s6  }
0xf: {  	[smem:$0x3FB5] =	sst s7  }
0x10: {  	[smem:$0x3FB6] =	sst s8  }
0x11: {  	[smem:$0x3FB7] =	sst s9;
	s0 =	simm.s32 @!p0 $0x0  }
0x12: {  	s1 =	sld [smem:$0x3F9D];
	s0 =	simm.s32 @p0 $0x1  }
0x13: {  	[smem:$0x3FB8] =	sst s0;
	s0 =	simm.s32 @!p1 $0x0  }
0x14: {  	s2 =	sld [smem:$0x3F9C];
	s0 =	simm.s32 @p1 $0x1  }
0x15: {  	[smem:$0x3FB9] =	sst s0;
	s0 =	simm.s32 @!p2 $0x0  }
0x16: {  	s3 =	sld [smem:$0x3FDB];
	s0 =	simm.s32 @p2 $0x1  }
0x17: {  	s4 =	simm.s32 $0x1BF5;
	[smem:$0x3FBB] =	sst s0  }
0x18: {  	s0 =	sld [smem:$0x3F9E];
	_ =	swait.ge [sflag:s4], $0x0  }
0x19: {  	s7 =	sld [smem:$0x3F9F]  }
0x1a: {  	s8 =	sadd.s32 $0xFFFFE003, lr  }
0x1b: {  	s9 =	sadd.s32 $0xFFFFFEF7, lr;
	s5 =	simm.s32 $0xFFFFFFFF;
	p2 =	slt.u32 s8, $0xFFFFF086  }
0x1c: {  	p1 =	slt.u32 s9, $0xF7A;
	s5 =	simm.s32 @!p2 $0x0  }
0x1d: {  	s5 =	simm.s32 @p1 $0x1;
	p0 =	seq.s32 s7, s2  }
0x1e: {  	s7 =	smul.u32 @!p0 $0xF7A, s2;
	p2 =	seq.s32 @!p0 s5, $0x0  }
0x1f: {  	s9 =	smul.u32 $0xF7A, s1;
	s8 =	simm.s32 @!p0 $0x1BF5;
	p2 =	por !p2, p0  }
0x20: {  	[sflag:s8] =	ssyncset.s32 @!p0 $0xFFFFF086;
	s6 =	sadd.s32 @!p0 s3, s7;
	s7 =	simm.s32 @!p0 $0x108  }
0x21: {  	s3 =	sadd.s32 s3, s9;
	s6 =	sadd.s32 @!p0 $0x88, s6;
	s7 =	simm.s32 @p2 $0x1082  }
0x22: {  	[simem:s7], [sflag:s8] =	dma.local @!p0 [hbm:s6], $0xF7A  }
0x23: {  	s9 =	sor.u32 $0xD0000000, s2;
	s6 =	simm.s32 $0x108;
	_ =	swait.ge @!p0 [sflag:s8], $0x0  }
0x24: {  	s3 =	sadd.s32 $0x88, s3;
	s6 =	simm.s32 @!p1 $0x1082;
	[sflag:s4] =	ssyncset.s32 $0xFFFFF086  }
0x25: {  	[simem:s6], [sflag:s4] =	dma.local [hbm:s3], $0xF7A  }
0x26: {  	[smem:$0x3F9F] =	sst s1;
	(tag) =	ssettag s2;
	_ =	strace s9  }
0x27: {  	s1 =	sld [smem:$0x3FAF]  }
0x28: {  	s2 =	sld [smem:$0x3FB0]  }
0x29: {  	s4 =	sld [smem:$0x3FB2]  }
0x2a: {  	p0 =	seq.s32 s5, $0x0;
	s5 =	sld [smem:$0x3FB3]  }
0x2b: {  	s6 =	sld [smem:$0x3FB4]  }
0x2c: {  	s7 =	sld [smem:$0x3FB5]  }
0x2d: {  	s3 =	simm.s32 $0x108;
	s8 =	sld [smem:$0x3FB6]  }
0x2e: {  	s3 =	simm.s32 @!p0 $0x1082;
	s9 =	sld [smem:$0x3FB7]  }
0x2f: {  	lr =	sadd.s32 s0, s3;
	s0 =	sld [smem:$0x3FAE]  }
0x30: {  	s3 =	sld [smem:$0x3FB1]  }
0x31: {  	[smem:$0x3FBA] =	sst s10  }
0x32: {  	s10 =	sld [smem:$0x3FB8];
	_ =	sdelay $0x3  }
0x33: {  	p0 =	seq.s32 s10, $0x1;
	s10 =	sld [smem:$0x3FBA];
	_ =	sdelay $0x3  }
0x34: {  	[smem:$0x3FBA] =	sst s10  }
0x35: {  	s10 =	sld [smem:$0x3FB9];
	_ =	sdelay $0x3  }
0x36: {  	p1 =	seq.s32 s10, $0x1;
	s10 =	sld [smem:$0x3FBA];
	_ =	sdelay $0x3  }
0x37: {  	[smem:$0x3FBA] =	sst s10  }
0x38: {  	s10 =	sld [smem:$0x3FBB]  }
0x39: {  	_ = 	snop;
	(pc) =	sbr.ind lr, $3  }
0x3a: {  	_ = 	snop  }
0x3b: {  	_ = 	snop  }
0x3c: {  	p2 =	seq.s32 s10, $0x1;
	s10 =	sld [smem:$0x3FBA]  }
0x3d: {  	_ =	shalt  }
0x3e: {  	_ =	shalt  }
0x3f: {  	_ =	shalt  }
0x40: {  	_ =	shalt  }
0x41: {  	_ =	shalt  }
0x42: {  	_ =	shalt  }
0x43: {  	_ =	shalt  }
0x44: {  	_ =	shalt  }
0x45: {  	_ =	shalt  }
0x46: {  	_ =	shalt  }
0x47: {  	_ =	shalt  }
0x48: {  	_ =	shalt  }
0x49: {  	_ =	shalt  }
0x4a: {  	_ =	shalt  }
0x4b: {  	_ =	shalt  }
0x4c: {  	_ =	shalt  }
0x4d: {  	_ =	shalt  }
0x4e: {  	_ =	shalt  }
0x4f: {  	_ =	shalt  }
0x50: {  	_ =	shalt  }
0x51: {  	_ =	shalt  }
0x52: {  	_ =	shalt  }
0x53: {  	_ =	shalt  }
0x54: {  	_ =	shalt  }
0x55: {  	_ =	shalt  }
0x56: {  	_ =	shalt  }
0x57: {  	_ =	shalt  }
0x58: {  	_ =	shalt  }
0x59: {  	_ =	shalt  }
0x5a: {  	_ =	shalt  }
0x5b: {  	_ =	shalt  }
0x5c: {  	_ =	shalt  }
0x5d: {  	_ =	shalt  }
0x5e: {  	_ =	shalt  }
0x5f: {  	_ =	shalt  }
0x60: {  	_ =	shalt  }
0x61: {  	_ =	shalt  }
0x62: {  	_ =	shalt  }
0x63: {  	_ =	shalt  }
0x64: {  	_ =	shalt  }
0x65: {  	_ =	shalt  }
0x66: {  	_ =	shalt  }
0x67: {  	_ =	shalt  }
0x68: {  	_ =	shalt  }
0x69: {  	_ =	shalt  }
0x6a: {  	_ =	shalt  }
0x6b: {  	_ =	shalt  }
0x6c: {  	_ =	shalt  }
0x6d: {  	_ =	shalt  }
0x6e: {  	_ =	shalt  }
0x6f: {  	_ =	shalt  }
0x70: {  	_ =	shalt  }
0x71: {  	_ =	shalt  }
0x72: {  	_ =	shalt  }
0x73: {  	_ =	shalt  }
0x74: {  	_ =	shalt  }
0x75: {  	_ =	shalt  }
0x76: {  	_ =	shalt  }
0x77: {  	_ =	shalt  }
0x78: {  	_ =	shalt  }
0x79: {  	_ =	shalt  }
0x7a: {  	_ =	shalt  }
0x7b: {  	_ =	shalt  }
0x7c: {  	_ =	shalt  }
0x7d: {  	_ =	shalt  }
0x7e: {  	_ =	shalt  }
0x7f: {  	_ =	shalt  }
0x80: {  	_ =	shalt  }
0x81: {  	_ =	shalt  }
0x82: {  	_ =	shalt  }
0x83: {  	_ =	shalt  }
0x84: {  	_ =	shalt  }
0x85: {  	_ =	shalt  }
0x86: {  	_ =	shalt  }
0x87: {  	_ =	shalt  }
.Lfunc_end0:
.L_simem_size_0:
called_computation_lowered:
.L_overlay_start_0:
0x88: {  	s2 =	sld [smem:$0x3FD9]  }
0x89: {  	s3 =	sld [smem:$0x3FFE];
	_ =	sdelay $0x1  }
0x8a: {  	s1 =	srdreg.scid  }
0x8b: {  	s0 =	sand.u32 $0x1, s1  }
0x8c: {  	s17 =	sshll.u32 s0, $0xA;
	s2 =	sadd.s32 s3, s2  }
0x8d: {  	s2 =	sadd.s32 s2, s17  }
0x8e: {  	[smem:$0x3FC6] =	sst s2  }
0x8f: {  	_ = 	snop  }
0x90: {  	s2 =	sld [smem:$0x3FC9]  }
0x91: {  	s18 =	sld [smem:$0x3FD0];
	(tm) =	ssettm $0x1  }
0x92: {  	s4 =	sld [smem:$0x3FFB];
	_ =	sdelay $0x3  }
0x93: {  	_ =	strace s4  }
0x94: {  	s4 =	sld [smem:$0x3FFC];
	_ =	sdelay $0x3  }
0x95: {  	_ =	strace s4  }
0x96: {  	s4 =	sld [smem:$0x3FFD];
	_ =	sdelay $0x3  }
0x97: {  	_ =	strace s4  }
0x98: {  	_ =	strace $0x8FFFFFFF  }
0x99: {  	s19 =	sld [smem:$0x3FDB];
	_ =	sdelay $0x1  }
0x9a: {  	s5 =	simm.s32 $_scs_section_size  }
0x9b: {  	s6 =	simm.s32 $_size__tile_overlayer_lowered;
	s7 =	simm.s32 $_tile_overlayer_lowered  }
0x9c: {  	s22 =	simm.s32 $0x1BFF;
	s21 =	sshll.u32 s7, $0x1;
	s4 =	sadd.s32 s5, s19  }
0x9d: {  	s8 =	simm.s32 $0x0;
	s20 =	sshll.u32 s6, $0x1;
	s6 =	sadd.s32 s21, s4  }
0x9e: {  	[timem:s8], [sflag:s22] =	dma.local [hbm:s6], s20  }
0x9f: {  	_ =	swait.ge [sflag:s22], s20  }
0xa0: {  	s5 =	ssub.s32 $0x0, s20;
	[sflag:s22] =	ssyncset.done $0x0  }
0xa1: {  	[sflag:s22] =	ssyncadd.s32 s5;
	_ =	sdelay $0x1  }
0xa2: {  	s23 =	simm.s32 $0x1B8B  }
0xa3: {  	_ =	swait.ge [sflag:s23], $0x1  }
0xa4: {  	[sflag:s23] =	ssyncset.done $0x0  }
0xa5: {  	s25 =	simm.s32 $0x1B8E;
	s24 =	sld [smem:$0x3FFE];
	[sflag:s23] =	ssyncadd.s32 $0xFFFFFFFF  }
0xa6: {  	s26 =	simm.s32 $execute0_lowered;
	[smem:$0x3FD2] =	sst s25  }
0xa7: {  	s6 =	sshll.u32 s26, $0x1;
	_ =	strace $0x80000046;
	[dreg:$0x1] =	wrdreg $0xFFFFFFFF  }
0xa8: {  	s28 =	simm.s32 $_size_execute0_lowered;
	s4 =	sadd.s32 s4, s6;
	[dreg:$0x0] =	wrdreg $0x0  }
0xa9: {  	s6 =	sshll.u32 s28, $0x1;
	[dreg:$0x2] =	wrdreg s4  }
0xaa: {  	[dreg:$0x3] =	wrdreg s6  }
0xab: {  	[dreg:$0x4] =	wrdreg $0xC0  }
0xac: {  	_ =	task [dreg:s8], $0x5FFFF  }
0xad: {  	[dreg:$0x1] =	wrdreg $0xFFFFFFFF  }
0xae: {  	[dreg:$0x0] =	wrdreg $0x60  }
0xaf: {  	[dreg:$0x2] =	wrdreg s2  }
0xb0: {  	[dreg:$0x3] =	wrdreg s24  }
0xb1: {  	[dreg:$0x4] =	wrdreg s18  }
0xb2: {  	[dreg:$0x5] =	wrdreg $0x9  }
0xb3: {  	_ =	task.clear_ibuf [dreg:s8], $0x6FFFF;
	_ =	strace $0x90000046  }
0xb4: {  	s29 =	simm.s32 $0x9;
	_ =	strace $0x80000048  }
0xb5: {  	_ =	swait.ge [sflag:s29], $0x1  }
0xb6: {  	[sflag:s29] =	ssyncadd.s32 $0xFFFFFFFF  }
0xb7: {  	_ =	strace $0x90000048  }
0xb8: {  	_ =	sfence  }
0xb9: {  	s30 =	sld [smem:$0x0];
	_ =	sdelay $0x2  }
0xba: {  	s31 =	sshll.u32 s1, $0xD;
	s1 =	sshrl.u32 s1, $0x2  }
0xbb: {  	s3 =	sand.u32 $0x4000, s31;
	s1 =	sadd.s32 s1, s30  }
0xbc: {  	s0 =	sor.u32 s3, s0;
	s1 =	sshll.u32 s1, $0x11  }
0xbd: {  	s0 =	sor.u32 s1, s0  }
0xbe: {  	s0 =	sadd.s32 $0x8F2B, s0  }
0xbf: {  	[sflag:s0] =	ssyncadd.remote.s32 $0x1  }
0xc0: {  	_ =	sfence.sel $0xFFFF  }
0xc1: {  	[dreg:$0x0] =	wrdreg $0xFFFFFFFF;
	(pc) =	sbr.abs _section_cstart, $3  }
0xc2: {  	[dreg:$0x1] =	wrdreg $0xFFFFFFFF  }
0xc3: {  	_ =	task.clear_ibuf [dreg:s8], $0x2FFFF;
	_ =	strace $0x9FFFFFFF  }
0xc4: {  	(tm) =	ssettm $0x7FFFFFFF  }
0xc5: {  	_ =	shalt  }
tec
execute0_lowered:
.L_overlay_start_1:
0x0: {  	(tag) =	ssettag $0x1  }
0x1: {  	s1 =	rddreg [dreg:$0x0]  }
0x2: {  	s0 =	rddreg [dreg:$0x1];
	s2 =	srdreg.scid  }
0x3: {  	s9 =	stileid.u32;
	s4 =	rddreg [dreg:$0x2];
	s3 =	simm.s32 $0x0  }
0x4: {  	s14 =	simm.s32 $0x2000;
	s22 =	simm.s32 $0x6000;
	s31 =	simm.s32 $0xA000  }
0x5: {  	s12 =	simm.s32 $0xC000;
	s13 =	simm.s32 $0xD800;
	s15 =	simm.s32 $0x1  }
0x6: {  	s16 =	simm.s32 $0xE000;
	s17 =	simm.s32 $0xE800;
	s18 =	simm.s32 $0xF000  }
0x7: {  	s19 =	simm.s32 $0xF800;
	s20 =	simm.s32 $0x10000;
	s21 =	simm.s32 $0x10800  }
0x8: {  	s23 =	simm.s32 $0x11000;
	s28 =	simm.s32 $0x4;
	s29 =	simm.s32 $0x5  }
0x9: {  	s30 =	simm.s32 $0x6;
	s2 =	sand.u32 $0x1, s2;
	s5 =	sshll.u32 s9, $0x1  }
0xa: {  	[smem:$0x7FF] =	sst s3;
	s26 =	sshll.u32 s9, $0xC;
	s9 =	simm.s32 $0xD000  }
0xb: {  	s5 =	sor.u32 s2, s5;
	s7 =	ssub.s32 $0x2, s2;
	_ =	strace $0x80000047  }
0xc: {  	s2 =	sshll.u32 s2, $0xB;
	s6 =	sshll.u32 s5, $0x4;
	s24 =	sshrl.u32 s7, $0x1  }
0xd: {  	s25 =	sshll.u32 s5, $0xB;
	s5 =	sadd.s32 $0x100, s1;
	s0 =	sadd.s32 s6, s0  }
0xe: {  	s8 =	ssub.s32 s7, s24;
	s6 =	sadd.s32 $0x200, s1;
	s7 =	sadd.s32 $0x300, s1  }
.Ltmp0:
0xf: {  	s24 =	simm.s32 $0x11800;
	s0 =	sadd.s32 $0x400, s0;
	(pc) =	sbr.rel .LBB2_1-.Ltmp0, $4  }
0x10: {  	s8 =	smax.u32 s8, $0x1;
	[dreg:$0x4] =	wrdreg s0;
	s0 =	sadd.s32 s25, s4  }
0x11: {  	v2 =	vlaneseq.u32;
	[dreg:$0x6] =	wrdreg s8;
	s25 =	simm.s32 $0x2;
	s0 =	sadd.s32 $0x3E0000, s0  }
0x12: {  	vm0 =	vmmov $0xffff;
	v1 =	vshrl.u32 v2, $0x3;
	s8 =	simm.s32 $0x0;
	[dreg:$0x5] =	wrdreg s0;
	s0 =	sadd.s32 s26, s4  }
0x13: {  	v0 =	vand.u32 $0x7, v2;
	v2 =	vor.u32 $0x8, v2;
	v1 =	vmul.u32 $0x8, v1;
	s4 =	simm.s32 $0xC800;
	s26 =	simm.s32 $0x3;
	s10 =	sadd.s32 s2, s0  }
.LBB2_6:
0x14: {  	_ =	swait.ge [sflag:s29], $0x4000  }
0x15: {  	[sflag:s29] =	ssyncset.done $0x0  }
0x16: {  	[sflag:s29] =	ssyncadd.s32 $0xFFFFC000  }
0x17: {  	_ =	swait.ge [sflag:s30], $0x4000  }
0x18: {  	[sflag:s30] =	ssyncset.done $0x0  }
0x19: {  	s0 =	simm.s32 $0x7;
	[sflag:s30] =	ssyncadd.s32 $0xFFFFC000  }
0x1a: {  	_ =	swait.ge [sflag:s0], $0x4000  }
0x1b: {  	[sflag:s0] =	ssyncset.done $0x0  }
0x1c: {  	s2 =	simm.s32 $0x8;
	[sflag:s0] =	ssyncadd.s32 $0xFFFFC000  }
0x1d: {  	_ =	swait.ge [sflag:s2], $0x4000  }
0x1e: {  	s8 =	rddreg [dreg:$0x7]  }
0x1f: {  	s11 =	rddreg [dreg:$0x6];
	s8 =	sadd.s32 $0x1, s8  }
0x20: {  	p0 =	sne.s32 s8, s11  }
.Ltmp1:
0x21: {  	_ = 	snop;
	(pc) =	sbr.rel @!p0 .LBB2_7-.Ltmp1, $3  }
0x22: {  	_ =	sdelay $0x1  }
0x23: {  	[sflag:s2] =	ssyncset.done $0x0  }
0x24: {  	[sflag:s2] =	ssyncadd.s32 $0xFFFFC000  }
.LBB2_1:
0x25: {  	s0 =	rddreg [dreg:$0x4];
	s2 =	simm.s32 $0x80;
	s11 =	simm.s32 $0x1000  }
0x26: {  	[tilespmem:s3], [sflag:$0x9] =	stream.strided.gather [hbm4b:s0+s2], $0x2000, s11, s2, $0x38;
	[tilespmem:$0x12000] =	vst v63  }
0x27: {  	[dreg:$0x7] =	wrdreg s8;
	s2 =	simm.s32 $0x9  }
0x28: {  	_ =	swait.ge [sflag:s2], $0x2000  }
0x29: {  	[sflag:s2] =	ssyncset.done $0x0  }
0x2a: {  	[sflag:s2] =	ssyncadd.s32 $0xFFFFE000  }
0x2b: {  	v3 =	vld [tilespmem:$0x0];
	_ =	sdelay $0x4  }
0x2c: {  	v4 =	vshll.u32 v3, $0x3  }
0x2d: {  	v3 =	vand.u32 $0x7, v3;
	v4 =	vand.u32 $0xFFFFFFC0, v4  }
0x2e: {  	v3 =	vor.u32 v3, v4  }
0x2f: {  	v4 =	vperm.xlane v3, v0;
	_ =	sdelay $0x1  }
0x30: {  	v4 =	vadd.s32 v1, v4;
	_ =	sdelay $0x4  }
0x31: {  	[tilespmem:s14], [sflag:$0x1] =	stream.indirect_vreg.gather [hbm4b:s1+s3], $0x80, v4, vm0, $0xb8;
	[tilespmem:$0x12000] =	vst v63  }
0x32: {  	s8 =	simm.s32 $0x2800;
	v3 =	vperm.xlane v3, v2  }
0x33: {  	[tilespmem:s8], [sflag:$0x1] =	stream.indirect_vreg.gather [hbm4b:s5+s3], $0x80, v4, vm0, $0xb8;
	[tilespmem:$0x12000] =	vst v63  }
0x34: {  	s11 =	simm.s32 $0x3000;
	v3 =	vadd.s32 v1, v3  }
0x35: {  	[tilespmem:s11], [sflag:$0x1] =	stream.indirect_vreg.gather [hbm4b:s6+s3], $0x80, v4, vm0, $0xb8;
	[tilespmem:$0x12000] =	vst v63  }
0x36: {  	s2 =	simm.s32 $0x3800  }
0x37: {  	[tilespmem:s2], [sflag:$0x1] =	stream.indirect_vreg.gather [hbm4b:s7+s3], $0x80, v4, vm0, $0xb8;
	[tilespmem:$0x12000] =	vst v63  }
0x38: {  	s8 =	simm.s32 $0x4000  }
0x39: {  	[tilespmem:s8], [sflag:$0x1] =	stream.indirect_vreg.gather [hbm4b:s1+s3], $0x80, v3, vm0, $0xb8;
	[tilespmem:$0x12000] =	vst v63  }
0x3a: {  	s11 =	simm.s32 $0x4800  }
0x3b: {  	[tilespmem:s11], [sflag:$0x1] =	stream.indirect_vreg.gather [hbm4b:s5+s3], $0x80, v3, vm0, $0xb8;
	[tilespmem:$0x12000] =	vst v63  }
0x3c: {  	s2 =	simm.s32 $0x5000  }
0x3d: {  	[tilespmem:s2], [sflag:$0x1] =	stream.indirect_vreg.gather [hbm4b:s6+s3], $0x80, v3, vm0, $0xb8;
	[tilespmem:$0x12000] =	vst v63  }
0x3e: {  	s8 =	simm.s32 $0x5800  }
0x3f: {  	[tilespmem:s8], [sflag:$0x1] =	stream.indirect_vreg.gather [hbm4b:s7+s3], $0x80, v3, vm0, $0xb8;
	[tilespmem:$0x12000] =	vst v63  }
0x40: {  	v3 =	vld [tilespmem:$0x80];
	_ =	sdelay $0x4  }
0x41: {  	v63 =	vshll.u32 v3, $0x3  }
0x42: {  	v3 =	vand.u32 $0x7, v3;
	v4 =	vand.u32 $0xFFFFFFC0, v63  }
0x43: {  	v3 =	vor.u32 v3, v4  }
0x44: {  	v4 =	vperm.xlane v3, v0;
	_ =	sdelay $0x1  }
0x45: {  	v4 =	vadd.s32 v1, v4;
	_ =	sdelay $0x4  }
0x46: {  	[tilespmem:s22], [sflag:$0x2] =	stream.indirect_vreg.gather [hbm4b:s1+s3], $0x80, v4, vm0, $0xb8;
	[tilespmem:$0x12000] =	vst v63  }
0x47: {  	s11 =	simm.s32 $0x6800;
	v3 =	vperm.xlane v3, v2  }
0x48: {  	[tilespmem:s11], [sflag:$0x2] =	stream.indirect_vreg.gather [hbm4b:s5+s3], $0x80, v4, vm0, $0xb8;
	[tilespmem:$0x12000] =	vst v63  }
0x49: {  	s2 =	simm.s32 $0x7000;
	v3 =	vadd.s32 v1, v3  }
0x4a: {  	[tilespmem:s2], [sflag:$0x2] =	stream.indirect_vreg.gather [hbm4b:s6+s3], $0x80, v4, vm0, $0xb8;
	[tilespmem:$0x12000] =	vst v63  }
0x4b: {  	s8 =	simm.s32 $0x7800  }
0x4c: {  	[tilespmem:s8], [sflag:$0x2] =	stream.indirect_vreg.gather [hbm4b:s7+s3], $0x80, v4, vm0, $0xb8;
	[tilespmem:$0x12000] =	vst v63  }
0x4d: {  	s11 =	simm.s32 $0x8000  }
0x4e: {  	[tilespmem:s11], [sflag:$0x2] =	stream.indirect_vreg.gather [hbm4b:s1+s3], $0x80, v3, vm0, $0xb8;
	[tilespmem:$0x12000] =	vst v63  }
0x4f: {  	s2 =	simm.s32 $0x8800  }
0x50: {  	[tilespmem:s2], [sflag:$0x2] =	stream.indirect_vreg.gather [hbm4b:s5+s3], $0x80, v3, vm0, $0xb8;
	[tilespmem:$0x12000] =	vst v63  }
.Ltmp2:
0x51: {  	_ = 	snop;
	(pc) =	sbr.rel .LBB2_2-.Ltmp2, $4  }
0x52: {  	s8 =	simm.s32 $0x9000  }
0x53: {  	[tilespmem:s8], [sflag:$0x2] =	stream.indirect_vreg.gather [hbm4b:s6+s3], $0x80, v3, vm0, $0xb8;
	[tilespmem:$0x12000] =	vst v63  }
0x54: {  	s11 =	simm.s32 $0x9800;
	s2 =	simm.s32 $0x0;
	s8 =	simm.s32 $0x180  }
0x55: {  	[tilespmem:s11], [sflag:$0x2] =	stream.indirect_vreg.gather [hbm4b:s7+s3], $0x80, v3, vm0, $0xb8;
	[tilespmem:$0x12000] =	vst v63  }
.LBB2_4:
0x56: {  	_ =	swait.ge [sflag:s26], $0x4000  }
0x57: {  	[sflag:s26] =	ssyncset.done $0x0  }
0x58: {  	s11 =	rddreg [dreg:$0x5];
	[sflag:s26] =	ssyncadd.s32 $0xFFFFC000  }
0x59: {  	[hbm4b:s11+s3] =	stream.linear.scatter [tilespmem:s31], [sflag:$0x7], $0x4000, $0x38;
	[tilespmem:$0x12000] =	vst v63  }
.LBB2_5:
0x5a: {  	s2 =	sadd.s32 $0x40000, s2  }
0x5b: {  	p0 =	sne.s32 s2, $0x400000  }
.Ltmp3:
0x5c: {  	_ = 	snop;
	(pc) =	sbr.rel @!p0 .LBB2_6-.Ltmp3, $4  }
0x5d: {  	_ =	swait.ge [sflag:s28], $0x4000  }
0x5e: {  	[sflag:s28] =	ssyncset.done $0x0  }
0x5f: {  	s0 =	sadd.s32 $0x30000, s0;
	s8 =	sadd.s32 $0x200, s8;
	[sflag:s28] =	ssyncadd.s32 $0xFFFFC000  }
0x60: {  	[hbm4b:s0+s3] =	stream.linear.scatter [tilespmem:s16], [sflag:$0x8], $0x4000, $0x38;
	[tilespmem:$0x12000] =	vst v63  }
.LBB2_2:
0x61: {  	p0 =	seq.s32 s2, $0x0  }
0x62: {  	s0 =	simm.s32 @!p0 $0x7  }
0x63: {  	_ =	swait.ge @!p0 [sflag:s0], $0x4000  }
0x64: {  	[sflag:s0] =	ssyncset.done @!p0 $0x0  }
0x65: {  	[sflag:s0] =	ssyncadd.s32 @!p0 $0xFFFFC000  }
0x66: {  	v3 =	vld [tilespmem:s8+$0xFFFFFF80];
	_ =	sdelay $0x4  }
0x67: {  	v4 =	vshll.u32 v3, $0x3  }
0x68: {  	v3 =	vand.u32 $0x7, v3;
	v4 =	vand.u32 $0xFFFFFFC0, v4  }
0x69: {  	v3 =	vor.u32 v3, v4  }
0x6a: {  	v4 =	vperm.xlane v3, v0;
	_ =	sdelay $0x1  }
0x6b: {  	v4 =	vadd.s32 v1, v4;
	_ =	sdelay $0x4  }
0x6c: {  	[tilespmem:s31], [sflag:$0x3] =	stream.indirect_vreg.gather [hbm4b:s1+s3], $0x80, v4, vm0, $0xb8;
	[tilespmem:$0x12000] =	vst v63  }
0x6d: {  	s11 =	simm.s32 $0xA800;
	v3 =	vperm.xlane v3, v2  }
0x6e: {  	[tilespmem:s11], [sflag:$0x3] =	stream.indirect_vreg.gather [hbm4b:s5+s3], $0x80, v4, vm0, $0xb8;
	[tilespmem:$0x12000] =	vst v63  }
0x6f: {  	v3 =	vadd.s32 v1, v3;
	s11 =	simm.s32 $0xB000  }
0x70: {  	[tilespmem:s11], [sflag:$0x3] =	stream.indirect_vreg.gather [hbm4b:s6+s3], $0x80, v4, vm0, $0xb8;
	[tilespmem:$0x12000] =	vst v63  }
0x71: {  	s11 =	simm.s32 $0xB800  }
0x72: {  	[tilespmem:s11], [sflag:$0x3] =	stream.indirect_vreg.gather [hbm4b:s7+s3], $0x80, v4, vm0, $0xb8;
	[tilespmem:$0x12000] =	vst v63  }
0x73: {  	_ = 	snop  }
0x74: {  	[tilespmem:s12], [sflag:$0x3] =	stream.indirect_vreg.gather [hbm4b:s1+s3], $0x80, v3, vm0, $0xb8;
	[tilespmem:$0x12000] =	vst v63  }
0x75: {  	_ = 	snop  }
0x76: {  	[tilespmem:s4], [sflag:$0x3] =	stream.indirect_vreg.gather [hbm4b:s5+s3], $0x80, v3, vm0, $0xb8;
	[tilespmem:$0x12000] =	vst v63  }
0x77: {  	_ = 	snop  }
0x78: {  	[tilespmem:s9], [sflag:$0x3] =	stream.indirect_vreg.gather [hbm4b:s6+s3], $0x80, v3, vm0, $0xb8;
	[tilespmem:$0x12000] =	vst v63  }
0x79: {  	_ = 	snop  }
0x7a: {  	[tilespmem:s13], [sflag:$0x3] =	stream.indirect_vreg.gather [hbm4b:s7+s3], $0x80, v3, vm0, $0xb8;
	[tilespmem:$0x12000] =	vst v63  }
0x7b: {  	_ =	swait.ge [sflag:s15], $0x4000  }
0x7c: {  	[sflag:s15] =	ssyncset.done $0x0  }
0x7d: {  	s0 =	sadd.s32 s2, s10;
	s11 =	simm.s32 @!p0 $0x8;
	[sflag:s15] =	ssyncadd.s32 $0xFFFFC000  }
0x7e: {  	[hbm4b:s0+s3] =	stream.linear.scatter [tilespmem:s14], [sflag:$0x5], $0x4000, $0x38;
	[tilespmem:$0x12000] =	vst v63  }
0x7f: {  	_ =	swait.ge @!p0 [sflag:s11], $0x4000  }
0x80: {  	[sflag:s11] =	ssyncset.done @!p0 $0x0  }
0x81: {  	[sflag:s11] =	ssyncadd.s32 @!p0 $0xFFFFC000  }
0x82: {  	v3 =	vld [tilespmem:s8+$0x0];
	_ =	sdelay $0x4  }
0x83: {  	v63 =	vshll.u32 v3, $0x3  }
0x84: {  	v3 =	vand.u32 $0x7, v3;
	v4 =	vand.u32 $0xFFFFFFC0, v63  }
0x85: {  	v3 =	vor.u32 v3, v4  }
0x86: {  	v4 =	vperm.xlane v3, v0;
	_ =	sdelay $0x1  }
0x87: {  	v4 =	vadd.s32 v1, v4;
	_ =	sdelay $0x4  }
0x88: {  	[tilespmem:s16], [sflag:$0x4] =	stream.indirect_vreg.gather [hbm4b:s1+s3], $0x80, v4, vm0, $0xb8;
	[tilespmem:$0x12000] =	vst v63  }
0x89: {  	v3 =	vperm.xlane v3, v2  }
0x8a: {  	[tilespmem:s17], [sflag:$0x4] =	stream.indirect_vreg.gather [hbm4b:s5+s3], $0x80, v4, vm0, $0xb8;
	[tilespmem:$0x12000] =	vst v63  }
0x8b: {  	v3 =	vadd.s32 v1, v3  }
0x8c: {  	[tilespmem:s18], [sflag:$0x4] =	stream.indirect_vreg.gather [hbm4b:s6+s3], $0x80, v4, vm0, $0xb8;
	[tilespmem:$0x12000] =	vst v63  }
0x8d: {  	_ = 	snop  }
0x8e: {  	[tilespmem:s19], [sflag:$0x4] =	stream.indirect_vreg.gather [hbm4b:s7+s3], $0x80, v4, vm0, $0xb8;
	[tilespmem:$0x12000] =	vst v63  }
0x8f: {  	_ = 	snop  }
0x90: {  	[tilespmem:s20], [sflag:$0x4] =	stream.indirect_vreg.gather [hbm4b:s1+s3], $0x80, v3, vm0, $0xb8;
	[tilespmem:$0x12000] =	vst v63  }
0x91: {  	_ = 	snop  }
0x92: {  	[tilespmem:s21], [sflag:$0x4] =	stream.indirect_vreg.gather [hbm4b:s5+s3], $0x80, v3, vm0, $0xb8;
	[tilespmem:$0x12000] =	vst v63  }
0x93: {  	_ = 	snop  }
0x94: {  	[tilespmem:s23], [sflag:$0x4] =	stream.indirect_vreg.gather [hbm4b:s6+s3], $0x80, v3, vm0, $0xb8;
	[tilespmem:$0x12000] =	vst v63  }
0x95: {  	p0 =	seq.s32 s2, $0x3C0000  }
0x96: {  	[tilespmem:s24], [sflag:$0x4] =	stream.indirect_vreg.gather [hbm4b:s7+s3], $0x80, v3, vm0, $0xb8;
	[tilespmem:$0x12000] =	vst v63  }
.Ltmp4:
0x97: {  	_ = 	snop;
	(pc) =	sbr.rel @p0 .LBB2_4-.Ltmp4, $4  }
0x98: {  	_ =	swait.ge [sflag:s25], $0x4000  }
0x99: {  	[sflag:s25] =	ssyncset.done $0x0  }
0x9a: {  	s11 =	sadd.s32 $0x10000, s0;
	[sflag:s25] =	ssyncadd.s32 $0xFFFFC000  }
0x9b: {  	[hbm4b:s11+s3] =	stream.linear.scatter [tilespmem:s22], [sflag:$0x6], $0x4000, $0x38;
	[tilespmem:$0x12000] =	vst v63  }
0x9c: {  	_ =	swait.ge [sflag:s29], $0x4000  }
0x9d: {  	[sflag:s29] =	ssyncset.done $0x0  }
0x9e: {  	[sflag:s29] =	ssyncadd.s32 $0xFFFFC000  }
0x9f: {  	v3 =	vld [tilespmem:s8+$0x80];
	_ =	sdelay $0x4  }
0xa0: {  	v4 =	vshll.u32 v3, $0x3  }
0xa1: {  	v3 =	vand.u32 $0x7, v3;
	v4 =	vand.u32 $0xFFFFFFC0, v4  }
0xa2: {  	v3 =	vor.u32 v3, v4  }
0xa3: {  	v4 =	vperm.xlane v3, v0;
	_ =	sdelay $0x1  }
0xa4: {  	v4 =	vadd.s32 v1, v4;
	_ =	sdelay $0x4  }
0xa5: {  	[tilespmem:s14], [sflag:$0x1] =	stream.indirect_vreg.gather [hbm4b:s1+s3], $0x80, v4, vm0, $0xb8;
	[tilespmem:$0x12000] =	vst v63  }
0xa6: {  	s11 =	simm.s32 $0x2800;
	v3 =	vperm.xlane v3, v2  }
0xa7: {  	[tilespmem:s11], [sflag:$0x1] =	stream.indirect_vreg.gather [hbm4b:s5+s3], $0x80, v4, vm0, $0xb8;
	[tilespmem:$0x12000] =	vst v63  }
0xa8: {  	v3 =	vadd.s32 v1, v3;
	s11 =	simm.s32 $0x3000  }
0xa9: {  	[tilespmem:s11], [sflag:$0x1] =	stream.indirect_vreg.gather [hbm4b:s6+s3], $0x80, v4, vm0, $0xb8;
	[tilespmem:$0x12000] =	vst v63  }
0xaa: {  	s11 =	simm.s32 $0x3800  }
0xab: {  	[tilespmem:s11], [sflag:$0x1] =	stream.indirect_vreg.gather [hbm4b:s7+s3], $0x80, v4, vm0, $0xb8;
	[tilespmem:$0x12000] =	vst v63  }
0xac: {  	s11 =	simm.s32 $0x4000  }
0xad: {  	[tilespmem:s11], [sflag:$0x1] =	stream.indirect_vreg.gather [hbm4b:s1+s3], $0x80, v3, vm0, $0xb8;
	[tilespmem:$0x12000] =	vst v63  }
0xae: {  	s11 =	simm.s32 $0x4800  }
0xaf: {  	[tilespmem:s11], [sflag:$0x1] =	stream.indirect_vreg.gather [hbm4b:s5+s3], $0x80, v3, vm0, $0xb8;
	[tilespmem:$0x12000] =	vst v63  }
0xb0: {  	s11 =	simm.s32 $0x5000  }
0xb1: {  	[tilespmem:s11], [sflag:$0x1] =	stream.indirect_vreg.gather [hbm4b:s6+s3], $0x80, v3, vm0, $0xb8;
	[tilespmem:$0x12000] =	vst v63  }
0xb2: {  	s11 =	simm.s32 $0x5800  }
0xb3: {  	[tilespmem:s11], [sflag:$0x1] =	stream.indirect_vreg.gather [hbm4b:s7+s3], $0x80, v3, vm0, $0xb8;
	[tilespmem:$0x12000] =	vst v63  }
0xb4: {  	_ =	swait.ge [sflag:s26], $0x4000  }
0xb5: {  	[sflag:s26] =	ssyncset.done $0x0  }
0xb6: {  	s11 =	sadd.s32 $0x20000, s0;
	[sflag:s26] =	ssyncadd.s32 $0xFFFFC000  }
0xb7: {  	[hbm4b:s11+s3] =	stream.linear.scatter [tilespmem:s31], [sflag:$0x7], $0x4000, $0x38;
	[tilespmem:$0x12000] =	vst v63  }
0xb8: {  	_ =	swait.ge [sflag:s30], $0x4000  }
0xb9: {  	[sflag:s30] =	ssyncset.done $0x0  }
0xba: {  	[sflag:s30] =	ssyncadd.s32 $0xFFFFC000  }
0xbb: {  	v3 =	vld [tilespmem:s8+$0x100];
	_ =	sdelay $0x4  }
0xbc: {  	v63 =	vshll.u32 v3, $0x3  }
0xbd: {  	v3 =	vand.u32 $0x7, v3;
	v4 =	vand.u32 $0xFFFFFFC0, v63  }
0xbe: {  	v3 =	vor.u32 v3, v4  }
0xbf: {  	v4 =	vperm.xlane v3, v0;
	_ =	sdelay $0x1  }
0xc0: {  	v4 =	vadd.s32 v1, v4;
	_ =	sdelay $0x4  }
0xc1: {  	[tilespmem:s22], [sflag:$0x2] =	stream.indirect_vreg.gather [hbm4b:s1+s3], $0x80, v4, vm0, $0xb8;
	[tilespmem:$0x12000] =	vst v63  }
0xc2: {  	s11 =	simm.s32 $0x6800;
	v3 =	vperm.xlane v3, v2  }
0xc3: {  	[tilespmem:s11], [sflag:$0x2] =	stream.indirect_vreg.gather [hbm4b:s5+s3], $0x80, v4, vm0, $0xb8;
	[tilespmem:$0x12000] =	vst v63  }
0xc4: {  	v3 =	vadd.s32 v1, v3;
	s11 =	simm.s32 $0x7000  }
0xc5: {  	[tilespmem:s11], [sflag:$0x2] =	stream.indirect_vreg.gather [hbm4b:s6+s3], $0x80, v4, vm0, $0xb8;
	[tilespmem:$0x12000] =	vst v63  }
0xc6: {  	s11 =	simm.s32 $0x7800  }
0xc7: {  	[tilespmem:s11], [sflag:$0x2] =	stream.indirect_vreg.gather [hbm4b:s7+s3], $0x80, v4, vm0, $0xb8;
	[tilespmem:$0x12000] =	vst v63  }
0xc8: {  	s11 =	simm.s32 $0x8000  }
0xc9: {  	[tilespmem:s11], [sflag:$0x2] =	stream.indirect_vreg.gather [hbm4b:s1+s3], $0x80, v3, vm0, $0xb8;
	[tilespmem:$0x12000] =	vst v63  }
0xca: {  	s11 =	simm.s32 $0x8800  }
0xcb: {  	[tilespmem:s11], [sflag:$0x2] =	stream.indirect_vreg.gather [hbm4b:s5+s3], $0x80, v3, vm0, $0xb8;
	[tilespmem:$0x12000] =	vst v63  }
.Ltmp5:
0xcc: {  	_ = 	snop;
	(pc) =	sbr.rel .LBB2_5-.Ltmp5, $4  }
0xcd: {  	s11 =	simm.s32 $0x9000  }
0xce: {  	[tilespmem:s11], [sflag:$0x2] =	stream.indirect_vreg.gather [hbm4b:s6+s3], $0x80, v3, vm0, $0xb8;
	[tilespmem:$0x12000] =	vst v63  }
0xcf: {  	s11 =	simm.s32 $0x9800  }
0xd0: {  	[tilespmem:s11], [sflag:$0x2] =	stream.indirect_vreg.gather [hbm4b:s7+s3], $0x80, v3, vm0, $0xb8;
	[tilespmem:$0x12000] =	vst v63  }
.LBB2_7:
0xd1: {  	_ =	sfence.sel $0x180000  }
0xd2: {  	[bflag:$0x0] =	sbarrier.arrive $0xFFFF  }
0xd3: {  	_ =	strace $0x90000047  }
0xd4: {  	s0 =	stileid.u32;
	[bflag:$0x2] =	sbarrier.arrive $0xFFFF  }
0xd5: {  	p0 =	sne.s32 s0, $0x0;
	s0 =	rddreg [dreg:$0x3]  }
0xd6: {  	s0 =	sadd.s32 @!p0 $0x100000, s0  }
0xd7: {  	[sflag:s0] =	ssyncadd.tile.s32 @!p0 $0x1;
	_ =	shalt  }
.Lfunc_end2:
_tile_overlayer_lowered:
.L_overlay_start_2:
0xd8: {  	(tag) =	ssettag $0x2  }
0xd9: {  	s0 =	rddreg [dreg:$0x0];
	s2 =	stileid.u32  }
0xda: {  	s1 =	rddreg [dreg:$0x1];
	p0 =	sne.s32 s2, $0x0  }
0xdb: {  	s3 =	rddreg [dreg:$0x2];
	[bflag:$0x3] =	sbarrier.arrive $0xFFFF;
	s2 =	simm.s32 @!p0 $0x1C09  }
0xdc: {  	[timem:s3], [sflag:s2] =	dma.local @!p0 [hbm:s0], s1  }
0xdd: {  	s0 =	simm.s32 @!p0 $0x9  }
0xde: {  	_ =	swait.ge @!p0 [sflag:s0], s1  }
0xdf: {  	s1 =	ssub.s32 @!p0 $0x0, s1;
	[sflag:s0] =	ssyncset.done @!p0 $0x0  }
0xe0: {  	[sflag:s0] =	ssyncadd.s32 @!p0 s1  }
0xe1: {  	[bflag:$0x3] =	sbarrier.arrive $0xFFFF  }
0xe2: {  	_ =	shalt  }

</sc_bundles>
